<compile_context>
chip_gen: v7x
topology: tpu7x:2x2x1
jax: 0.10.2.dev20260603
libtpu: 0.0.44.dev20260713+nightly
codegen_flags: <defaults>
</compile_context>

<pallas_src>
import functools

import jax
import jax.numpy as jnp
from jax import lax
from jax.experimental import pallas as pl
from jax.experimental.pallas import tpu as pltpu
from jax.experimental.pallas import tpu_sc as plsc

B = 32
L = 4096
HKV = 4
G = 4
HQ = 16
D = 128
DM = 2048
DKV = 512
TOPK = 8
CHUNK = 64
WIN = 128
NCH = 64
EPS = 1e-6
SCALE = 1.0 / (D ** 0.5)
HP = lax.Precision.HIGHEST

NS = G * TOPK
NTOK = NS * CHUNK
NROWS_C = B * HKV * NTOK
NROWS_W = B * HKV * WIN
NROWS = NROWS_C + NROWS_W

NW = 32
PW = NROWS // NW
CH_G = 128
NIT = PW // CH_G


def _prsqrt(x):
    y = lax.rsqrt(x)
    return y * (1.5 - 0.5 * x * y * y)


def _proj_body(h_ref, wq_ref, wkv_ref, bq_ref, bkv_ref, q_ref, kv_ref):
    h = h_ref[...]
    q_ref[...] = lax.dot_general(h, wq_ref[...], (((1,), (1,)), ((), ())),
                                 precision=HP) + bq_ref[...]
    kv_ref[...] = lax.dot_general(h, wkv_ref[...], (((1,), (1,)), ((), ())),
                                  precision=HP) + bkv_ref[...]


def _proj(h, Wq, bq, Wkv, bkv):
    return pl.pallas_call(
        _proj_body,
        out_shape=[jax.ShapeDtypeStruct((B, DM), jnp.float32),
                   jax.ShapeDtypeStruct((B, 2 * DKV), jnp.float32)],
    )(h, Wq, Wkv, bq.reshape(1, DM), bkv.reshape(1, 2 * DKV))


def _sc_gather(k2, v2, gidx):
    nrows = gidx.shape[0]
    pw = nrows // NW
    ch = CH_G if (pw // CH_G) % 2 == 0 else CH_G // 2
    nit = pw // ch
    mesh = plsc.VectorSubcoreMesh(core_axis_name="c", subcore_axis_name="s")

    @functools.partial(
        pl.kernel,
        out_type=[jax.ShapeDtypeStruct((nrows, D), jnp.float32),
                  jax.ShapeDtypeStruct((nrows, D), jnp.float32)],
        mesh=mesh,
        scratch_types=[pltpu.VMEM((pw,), jnp.int32),
                       pltpu.VMEM((ch, D), jnp.float32),
                       pltpu.VMEM((ch, D), jnp.float32),
                       pltpu.VMEM((ch, D), jnp.float32),
                       pltpu.VMEM((ch, D), jnp.float32),
                       pltpu.SemaphoreType.DMA,
                       pltpu.SemaphoreType.DMA,
                       pltpu.SemaphoreType.DMA,
                       pltpu.SemaphoreType.DMA,
                       pltpu.SemaphoreType.DMA,
                       pltpu.SemaphoreType.DMA,
                       pltpu.SemaphoreType.DMA,
                       pltpu.SemaphoreType.DMA],
    )
    def kern(k_hbm, v_hbm, i_hbm, ok_hbm, ov_hbm, idx_v, kba, vba, kbb, vbb,
             gka, gva, gkb, gvb, wka, wva, wkb, wvb):
        wid = lax.axis_index("s") * 2 + lax.axis_index("c")
        base = wid * pw
        pltpu.sync_copy(i_hbm.at[pl.ds(base, pw)], idx_v)

        @pl.loop(0, nit, step=2)
        def _(it):
            isla = idx_v.at[pl.ds(it * ch, ch)]
            hka = pltpu.async_copy(k_hbm.at[isla], kba, gka)
            hva = pltpu.async_copy(v_hbm.at[isla], vba, gva)
            islb = idx_v.at[pl.ds((it + 1) * ch, ch)]
            hkb = pltpu.async_copy(k_hbm.at[islb], kbb, gkb)
            hvb = pltpu.async_copy(v_hbm.at[islb], vbb, gvb)
            hka.wait()
            hva.wait()
            wa = pltpu.async_copy(kba, ok_hbm.at[pl.ds(base + it * ch, ch)], wka)
            wb = pltpu.async_copy(vba, ov_hbm.at[pl.ds(base + it * ch, ch)], wva)
            hkb.wait()
            hvb.wait()
            wc = pltpu.async_copy(kbb, ok_hbm.at[pl.ds(base + (it + 1) * ch, ch)], wkb)
            wd = pltpu.async_copy(vbb, ov_hbm.at[pl.ds(base + (it + 1) * ch, ch)], wvb)
            wa.wait()
            wb.wait()
            wc.wait()
            wd.wait()

    return kern(k2, v2, gidx)


def _attn_body(seq_ref, qn_ref, knew_ref, vnew_ref, knw_ref, qnw_ref,
               s_ref, gm_ref, pos_ref, wm_ref,
               kgc_ref, vgc_ref, kgw_ref, vgw_ref, o_ref):
    b = pl.program_id(0)
    sl = seq_ref[b] + 1
    slf = sl.astype(jnp.float32)
    qr = qn_ref[0, 0]
    qn = qnw_ref[...] * (qr * _prsqrt(jnp.mean(qr * qr, -1, keepdims=True)
                                      + EPS))
    qk = qn * knw_ref[...]
    knew = knew_ref[0, 0]
    vnew = vnew_ref[0, 0]
    lnew = lax.dot_general(qk, knew, (((1,), (1,)), ((), ())),
                           precision=HP)
    ssnew = jnp.sum(knew * knew, axis=1, keepdims=True)

    kc = kgc_ref[...]
    vc = vgc_ref[...]
    S = s_ref[...]
    gm = gm_ref[...]
    pos = pos_ref[0]
    valid = (pos < slf).astype(jnp.float32)
    isnew = (pos == slf - 1.0).astype(jnp.float32)
    l4 = lax.dot_general(qk, kc, (((1,), (1,)), ((), ())),
                         precision=HP)
    lc = jnp.sum(l4 * gm, axis=0, keepdims=True)
    lnewc = jnp.sum(lnew * gm, axis=0, keepdims=True)
    lc = lc + isnew * (lnewc - lc)
    ones = jnp.ones((1, D), dtype=jnp.float32)
    ss = lax.dot_general(ones, kc * kc, (((1,), (1,)), ((), ())),
                         precision=HP)
    ss = ss + isnew * (ssnew - ss)
    rinv = _prsqrt(ss * (1.0 / D) + EPS)
    ec = jnp.exp(lc * rinv * SCALE) * valid
    d32 = lax.dot_general(ec, S, (((1,), (1,)), ((), ())), precision=HP)
    dlane = lax.dot_general(d32, S, (((1,), (0,)), ((), ())), precision=HP)
    attn = ec / (dlane + 1e-30)
    tcol = jnp.transpose(isnew, (1, 0))
    vcp = vc + tcol * (vnew - vc)
    o32 = lax.dot_general(S * attn, vcp, (((1,), (0,)), ((), ())))
    o_hsa = lax.dot_general(wm_ref[0, 0], o32, (((1,), (0,)), ((), ())),
                            precision=HP)

    kw_ = kgw_ref[...]
    vw_ = vgw_ref[...]
    wlane = lax.broadcasted_iota(jnp.int32, (1, WIN), 1)
    wstart = jnp.maximum(sl - WIN, 0)
    wpos = wlane + wstart
    wvalid = (wpos < sl).astype(jnp.float32)
    wisnew = (wpos == sl - 1).astype(jnp.float32)
    lw = lax.dot_general(qk, kw_, (((1,), (1,)), ((), ())),
                         precision=HP)
    lw = lw + wisnew * (lnew - lw)
    ssw = lax.dot_general(ones, kw_ * kw_, (((1,), (1,)), ((), ())),
                          precision=HP)
    ssw = ssw + wisnew * (ssnew - ssw)
    rinvw = _prsqrt(ssw * (1.0 / D) + EPS)
    ew = jnp.exp(lw * rinvw * SCALE) * wvalid
    dw = jnp.sum(ew, axis=1, keepdims=True)
    aw = ew / dw
    twin = jnp.transpose(wisnew, (1, 0))
    vwp = vw_ + twin * (vnew - vw_)
    o_swa = lax.dot_general(aw, vwp, (((1,), (0,)), ((), ())), precision=HP)
    o_ref[0, 0] = o_hsa + o_swa


def _attn(seq_lens, qn4, knew4, vnew4, kn_w, qn_w, smat, gmat, posf, wmat,
          kg, vg):
    bh = qn4.shape[0]
    nrc = bh * HKV * NTOK
    return pl.pallas_call(
        _attn_body,
        grid=(bh, HKV),
        in_specs=[
            pl.BlockSpec(memory_space=pltpu.SMEM),
            pl.BlockSpec((1, 1, G, D), lambda b, k: (b, k, 0, 0)),
            pl.BlockSpec((1, 1, 1, D), lambda b, k: (b, k, 0, 0)),
            pl.BlockSpec((1, 1, 1, D), lambda b, k: (b, k, 0, 0)),
            pl.BlockSpec((1, D), lambda b, k: (0, 0)),
            pl.BlockSpec((1, D), lambda b, k: (0, 0)),
            pl.BlockSpec((NS, NTOK), lambda b, k: (0, 0)),
            pl.BlockSpec((G, NTOK), lambda b, k: (0, 0)),
            pl.BlockSpec((1, 1, NTOK), lambda b, k: (b * HKV + k, 0, 0)),
            pl.BlockSpec((1, 1, G, NS), lambda b, k: (b, k, 0, 0)),
            pl.BlockSpec((NTOK, D), lambda b, k: (b * HKV + k, 0)),
            pl.BlockSpec((NTOK, D), lambda b, k: (b * HKV + k, 0)),
            pl.BlockSpec((WIN, D), lambda b, k: (nrc // WIN + b * HKV + k, 0)),
            pl.BlockSpec((WIN, D), lambda b, k: (nrc // WIN + b * HKV + k, 0)),
        ],
        out_specs=pl.BlockSpec((1, 1, G, D), lambda b, k: (b, k, 0, 0)),
        out_shape=jax.ShapeDtypeStruct((bh, HKV, G, D), jnp.float32),
    )(seq_lens, qn4, knew4, vnew4, kn_w, qn_w, smat, gmat, posf, wmat,
      kg, vg, kg, vg)


def _out_body(o_ref, wo_ref, bo_ref, out_ref):
    out_ref[...] = lax.dot_general(o_ref[...], wo_ref[...],
                                   (((1,), (1,)), ((), ())),
                                   precision=HP) + bo_ref[...]


def _outproj(o2, Wo, bo):
    return pl.pallas_call(
        _out_body,
        out_shape=jax.ShapeDtypeStruct((B, DM), jnp.float32),
    )(o2, Wo, bo.reshape(1, DM))


def kernel(hidden_states, k_cache, v_cache, seq_lens, Wq, bq, Wkv, bkv,
           Wo, bo, qn_w, kn_w, ln_w):
    h = hidden_states[:, 0, :]
    q_r, kv = _proj(h, Wq, bq, Wkv, bkv)
    q4 = q_r.reshape(B, HQ, D)
    k_new = kv[:, :DKV].reshape(B, HKV, D)
    v_new = kv[:, DKV:].reshape(B, HKV, D)

    def _rms(x, w):
        xf = x.astype(jnp.float32)
        return w * (xf * lax.rsqrt(jnp.mean(xf * xf, -1, keepdims=True) + EPS))

    qs = _rms((h @ Wq.T + bq).reshape(B, HKV, G, D), qn_w)
    kvs = h @ Wkv.T + bkv
    kns = kvs[:, :DKV].reshape(B, HKV, D)
    js = jnp.arange(NCH)
    lmks = k_cache[:, ::CHUNK]
    lmks = jnp.where(((js * CHUNK)[None, :] == seq_lens[:, None])[..., None, None],
                     kns[:, None], lmks)
    lmks = _rms(lmks, ln_w)
    scores = jnp.einsum('bkgd,bckd->bkgc', qs, lmks) * SCALE
    scores = jnp.where(((js * CHUNK)[None, :] < (seq_lens + 1)[:, None])
                       [:, None, None, :], scores, -1e9)
    vals, idx_s = jax.lax.top_k(scores, TOPK)
    wsel = jax.nn.softmax(vals, axis=-1)
    wch = wsel.reshape(B, HQ, TOPK)
    idxc = idx_s.astype(jnp.int32).reshape(B, HQ, TOPK)

    bb = jnp.arange(B, dtype=jnp.int32)
    pos = idxc[..., None] * CHUNK + jnp.arange(CHUNK, dtype=jnp.int32)
    kofhq = (jnp.arange(HQ, dtype=jnp.int32) // G)[None, :, None, None]
    rows_c = (bb[:, None, None, None] * L + pos) * HKV + kofhq
    sl = seq_lens + 1
    wstart = jnp.maximum(sl - WIN, 0)
    wpos = wstart[:, None] + jnp.arange(WIN, dtype=jnp.int32)[None, :]
    rows_w = ((bb[:, None, None] * L + wpos[:, None, :]) * HKV
              + jnp.arange(HKV, dtype=jnp.int32)[None, :, None])

    lanes = jnp.arange(NTOK, dtype=jnp.int32)
    smat = (jnp.arange(NS, dtype=jnp.int32)[:, None]
            == lanes[None, :] // CHUNK).astype(jnp.float32)
    gmat = (jnp.arange(G, dtype=jnp.int32)[:, None]
            == lanes[None, :] // (TOPK * CHUNK)).astype(jnp.float32)
    posf = pos.reshape(B * HKV, 1, NTOK).astype(jnp.float32)
    wmat = (wch.reshape(B, HKV, G, 1, TOPK)
            * jnp.eye(G, dtype=jnp.float32)[None, None, :, :, None]
            ).reshape(B, HKV, G, NS)

    k2 = k_cache.reshape(-1, D)
    v2 = v_cache.reshape(-1, D)
    q44 = q4.reshape(B, HKV, G, D)
    kn4 = k_new.reshape(B, HKV, 1, D)
    vn4 = v_new.reshape(B, HKV, 1, D)
    knw = kn_w.reshape(1, D)
    qnw = qn_w.reshape(1, D)
    BH = B // 4
    outs = []
    for h in range(4):
        s0, s1 = h * BH, (h + 1) * BH
        gidx_h = jnp.concatenate([rows_c[s0:s1].reshape(-1),
                                  rows_w[s0:s1].reshape(-1)])
        kg, vg = _sc_gather(k2, v2, gidx_h)
        outs.append(_attn(seq_lens[s0:s1], q44[s0:s1], kn4[s0:s1], vn4[s0:s1],
                          knw, qnw, smat, gmat,
                          posf[s0 * HKV:s1 * HKV], wmat[s0:s1], kg, vg))
    o = jnp.concatenate(outs, axis=0)
    out = _outproj(o.reshape(B, DM), Wo, bo)
    return out[:, None, :]

# --- scband reference (transcript-rebuilt; emitter-appended) ---
"""Pipeline reference for scband-flash-hsa-inference-15547781612182 (READ-ONLY COPY).

The authoritative reference and input builder live on the scoring server;
editing this copy changes nothing except your own understanding.
"""

import jax, jax.numpy as jnp
import numpy as np

B = 32
L_CACHE = 4096
HQ = 16
HKV = 4
GROUP = HQ // HKV
D = 128
DM = 2048
DKV = HKV * D
TOPK = 8
CHUNK = 64
WIN = 128
EPS = 1e-6


def rmsnorm(x, w, eps=EPS):
    xf = x.astype(jnp.float32)
    var = jnp.mean(xf * xf, axis=-1, keepdims=True)
    return w * (xf * jax.lax.rsqrt(var + eps))


def setup_inputs(seed: int = 0):
    key = jax.random.key(seed)
    ks = jax.random.split(key, 12)
    inp = {}
    inp['hidden_states'] = jax.random.normal(ks[0], (B, 1, DM), dtype=jnp.float32)
    inp['k_cache'] = jax.random.normal(ks[1], (B, L_CACHE, HKV, D), dtype=jnp.float32)
    inp['v_cache'] = jax.random.normal(ks[2], (B, L_CACHE, HKV, D), dtype=jnp.float32)
    inp['seq_lens'] = jax.random.randint(ks[3], (B,), 0, L_CACHE).astype(jnp.int32)
    inp['Wq'] = jax.random.normal(ks[4], (DM, DM), dtype=jnp.float32) * 0.02
    inp['bq'] = jnp.zeros((DM,), dtype=jnp.float32)
    inp['Wkv'] = jax.random.normal(ks[5], (2 * DKV, DM), dtype=jnp.float32) * 0.02
    inp['bkv'] = jnp.zeros((2 * DKV,), dtype=jnp.float32)
    inp['Wo'] = jax.random.normal(ks[6], (DM, DM), dtype=jnp.float32) * 0.02
    inp['bo'] = jnp.zeros((DM,), dtype=jnp.float32)
    inp['qn_w'] = jnp.ones((D,), dtype=jnp.float32)
    inp['kn_w'] = jnp.ones((D,), dtype=jnp.float32)
    inp['ln_w'] = jnp.ones((D,), dtype=jnp.float32)
    return inp


def _forward(hidden_states, k_cache, v_cache, Wq, bq, Wkv, bkv, Wo, bo, qn_w, kn_w, ln_w, seq_lens):
    # decode path (L == 1) of FlashHSA_Inference
    h = hidden_states[:, 0, :]
    q = (h @ Wq.T + bq).reshape(B, HKV, GROUP, D)
    q = rmsnorm(q, qn_w)
    kv = h @ Wkv.T + bkv
    k_new = kv[:, :DKV].reshape(B, HKV, D)
    v_new = kv[:, DKV:].reshape(B, HKV, D)
    # DynamicKVCache.update_decode: expand by one slot, write at per-batch seq_len
    kc = jnp.concatenate([k_cache, jnp.zeros((B, 1, HKV, D), dtype=k_cache.dtype)], axis=1)
    vc = jnp.concatenate([v_cache, jnp.zeros((B, 1, HKV, D), dtype=v_cache.dtype)], axis=1)
    bidx = jnp.arange(B)
    kc = kc.at[bidx, seq_lens].set(k_new)
    vc = vc.at[bidx, seq_lens].set(v_new)
    sl = seq_lens + 1
    Lc = L_CACHE + 1
    scale = 1.0 / jnp.sqrt(jnp.float32(D))
    # landmarks: strided sampling of key cache (get_landmarks)
    lmks = rmsnorm(kc[:, ::CHUNK], ln_w)
    NC = lmks.shape[1]
    # chunk-level scores per query head (GQA: q head h -> kv head h // GROUP)
    scores = jnp.einsum('bkgd,bckd->bkgc', q, lmks) * scale
    chunk_valid = (jnp.arange(NC) * CHUNK)[None, :] < sl[:, None]
    scores = jnp.where(chunk_valid[:, None, None, :], scores, -1e9)
    vals, idx = jax.lax.top_k(scores, TOPK)
    w = jax.nn.softmax(vals, axis=-1)
    # gather tokens of the selected chunks
    pos = idx[..., None] * CHUNK + jnp.arange(CHUNK)
    pos_c = jnp.minimum(pos, Lc - 1)
    kt = jnp.transpose(kc, (0, 2, 1, 3))
    vt = jnp.transpose(vc, (0, 2, 1, 3))
    pos_f = pos_c.reshape(B, HKV, GROUP * TOPK * CHUNK)
    k_sel = jnp.take_along_axis(kt, pos_f[..., None], axis=2).reshape(B, HKV, GROUP, TOPK, CHUNK, D)
    v_sel = jnp.take_along_axis(vt, pos_f[..., None], axis=2).reshape(B, HKV, GROUP, TOPK, CHUNK, D)
    k_sel = rmsnorm(k_sel, kn_w)
    logits = jnp.einsum('bkgd,bkgtcd->bkgtc', q, k_sel) * scale
    tok_valid = pos < sl[:, None, None, None, None]
    logits = jnp.where(tok_valid, logits, -1e9)
    attn = jax.nn.softmax(logits, axis=-1)
    o_chunk = jnp.einsum('bkgtc,bkgtcd->bkgtd', attn, v_sel)
    # hierarchical combine: chunk-softmax-weighted sum of per-chunk attention
    o_hsa = jnp.einsum('bkgt,bkgtd->bkgd', w, o_chunk)
    # sliding window attention over the last WIN valid tokens
    t_idx = jnp.arange(Lc)
    swa_valid = (t_idx[None, :] < sl[:, None]) & (t_idx[None, :] >= sl[:, None] - WIN)
    kt_n = rmsnorm(kt, kn_w)
    swa_logits = jnp.einsum('bkgd,bkld->bkgl', q, kt_n) * scale
    swa_logits = jnp.where(swa_valid[:, None, None, :], swa_logits, -1e9)
    swa_attn = jax.nn.softmax(swa_logits, axis=-1)
    o_swa = jnp.einsum('bkgl,bkld->bkgd', swa_attn, vt)
    o = (o_hsa + o_swa).reshape(B, DM)
    out = o @ Wo.T + bo
    return out[:, None, :]


def reference(hidden_states, k_cache, v_cache, seq_lens, Wq, bq, Wkv, bkv, Wo, bo, qn_w, kn_w, ln_w):
    return _forward(hidden_states, k_cache, v_cache, Wq, bq, Wkv, bkv, Wo, bo, qn_w, kn_w, ln_w, seq_lens)

if __name__ == "__main__":
    import jax
    _d = setup_inputs()
    print(jax.jit(kernel)(*tuple(_d.values())))

</pallas_src>

<mosaic_0001>
#map = affine_map<(d0, d1) -> (0, 0)>
#map1 = affine_map<(d0, d1) -> (0)>
module attributes {stable_mosaic.version = 14 : i64} {
  func.func @kern(%arg0: i32, %arg1: i32, %arg2: memref<524288x128xf32, #tpu.memory_space<hbm>>, %arg3: memref<524288x128xf32, #tpu.memory_space<hbm>>, %arg4: memref<69632xi32, #tpu.memory_space<hbm>>, %arg5: memref<69632x128xf32, #tpu.memory_space<hbm>>, %arg6: memref<69632x128xf32, #tpu.memory_space<hbm>>, %arg7: memref<2176xi32, #tpu.memory_space<vmem>>, %arg8: memref<64x128xf32, #tpu.memory_space<vmem>>, %arg9: memref<64x128xf32, #tpu.memory_space<vmem>>, %arg10: memref<64x128xf32, #tpu.memory_space<vmem>>, %arg11: memref<64x128xf32, #tpu.memory_space<vmem>>, %arg12: memref<!tpu.dma_semaphore, #tpu.memory_space<semaphore_mem>>, %arg13: memref<!tpu.dma_semaphore, #tpu.memory_space<semaphore_mem>>, %arg14: memref<!tpu.dma_semaphore, #tpu.memory_space<semaphore_mem>>, %arg15: memref<!tpu.dma_semaphore, #tpu.memory_space<semaphore_mem>>, %arg16: memref<!tpu.dma_semaphore, #tpu.memory_space<semaphore_mem>>, %arg17: memref<!tpu.dma_semaphore, #tpu.memory_space<semaphore_mem>>, %arg18: memref<!tpu.dma_semaphore, #tpu.memory_space<semaphore_mem>>, %arg19: memref<!tpu.dma_semaphore, #tpu.memory_space<semaphore_mem>>) attributes {dimension_semantics = [#tpu.dimension_semantics<core_parallel>, #tpu.dimension_semantics<subcore_parallel>], iteration_bounds = array<i64: 2, 16>, scalar_prefetch = 0 : i64, scratch_operands = 13 : i64, tpu.core_type = #tpu.core_type<sc_vector_subcore>, window_params = [{transform_indices = #map}, {transform_indices = #map}, {transform_indices = #map1}, {transform_indices = #map}, {transform_indices = #map}]} {
    %mul3A = arith.constant 2 : i32
    %mul3A_0 = arith.muli %arg1, %mul3A : i32
    %add3A = arith.addi %mul3A_0, %arg0 : i32
    %mul3A_1 = arith.constant 2176 : i32
    %mul3A_2 = arith.muli %add3A, %mul3A_1 : i32
    "tpu.region"() ({
      %run_scoped3A = tpu.sem_alloc : memref<!tpu.dma_semaphore, #tpu.memory_space<semaphore_mem>>
      %dma_start3A = tpu.memref_slice %arg4[%mul3A_2] : memref<69632xi32, #tpu.memory_space<hbm>> -> memref<2176xi32, #tpu.memory_space<hbm>>
      %dma_start3A_7 = tpu.memref_slice %arg4[%mul3A_2] : memref<69632xi32, #tpu.memory_space<hbm>> -> memref<2176xi32, #tpu.memory_space<hbm>>
      tpu.enqueue_dma source(%dma_start3A_7 : memref<2176xi32, #tpu.memory_space<hbm>>) target(%arg7 : memref<2176xi32, #tpu.memory_space<vmem>>) target_semaphore(%run_scoped3A : memref<!tpu.dma_semaphore, #tpu.memory_space<semaphore_mem>>)
      %dma_wait3A = tpu.memref_slice %arg4[%mul3A_2] : memref<69632xi32, #tpu.memory_space<hbm>> -> memref<2176xi32, #tpu.memory_space<hbm>>
      %dma_wait3A_8 = tpu.memref_slice %arg4[%mul3A_2] : memref<69632xi32, #tpu.memory_space<hbm>> -> memref<2176xi32, #tpu.memory_space<hbm>>
      tpu.wait_dma2 semaphore(%run_scoped3A : memref<!tpu.dma_semaphore, #tpu.memory_space<semaphore_mem>>) src(%dma_wait3A_8 : memref<2176xi32, #tpu.memory_space<hbm>>) dst(%arg7 : memref<2176xi32, #tpu.memory_space<vmem>>)
      tpu.yield
    }) : () -> ()
    %scan3A = arith.constant 0 : i32
    %scan3A_3 = arith.constant 17 : i32
    %scan3A_4 = arith.addi %scan3A, %scan3A_3 : i32
    %scan3A_5 = arith.constant 1 : i32
    scf.for %scan3A_7 = %scan3A to %scan3A_4 step %scan3A_5  : i32 {
      %mul3A_8 = arith.constant 2 : i32
      %mul3A_9 = arith.muli %scan3A_7, %mul3A_8 : i32
      %add3A_10 = arith.constant 0 : i32
      %add3A_11 = arith.addi %add3A_10, %mul3A_9 : i32
      %mul3A_12 = arith.constant 64 : i32
      %mul3A_13 = arith.muli %add3A_11, %mul3A_12 : i32
      %dma_start3A = tpu.memref_slice %arg7[%mul3A_13] : memref<2176xi32, #tpu.memory_space<vmem>> -> memref<64xi32, #tpu.memory_space<vmem>>
      %dma_start3A_14 = arith.constant 0 : i32
      %dma_start3A_15 = arith.constant 0 : i32
      %dma_start3A_16 = tpu.memref_slice %arg2[%dma_start3A_14, %dma_start3A_15] : memref<524288x128xf32, #tpu.memory_space<hbm>> -> memref<524288x128xf32, #tpu.memory_space<hbm>>
      tpu.enqueue_indirect_dma source(%dma_start3A_16 : memref<524288x128xf32, #tpu.memory_space<hbm>>) target(%arg8 : memref<64x128xf32, #tpu.memory_space<vmem>>) offsets(%dma_start3A : memref<64xi32, #tpu.memory_space<vmem>>) semaphore(%arg12 : memref<!tpu.dma_semaphore, #tpu.memory_space<semaphore_mem>>)
      %dma_start3A_17 = tpu.memref_slice %arg7[%mul3A_13] : memref<2176xi32, #tpu.memory_space<vmem>> -> memref<64xi32, #tpu.memory_space<vmem>>
      %dma_start3A_18 = arith.constant 0 : i32
      %dma_start3A_19 = arith.constant 0 : i32
      %dma_start3A_20 = tpu.memref_slice %arg3[%dma_start3A_18, %dma_start3A_19] : memref<524288x128xf32, #tpu.memory_space<hbm>> -> memref<524288x128xf32, #tpu.memory_space<hbm>>
      tpu.enqueue_indirect_dma source(%dma_start3A_20 : memref<524288x128xf32, #tpu.memory_space<hbm>>) target(%arg9 : memref<64x128xf32, #tpu.memory_space<vmem>>) offsets(%dma_start3A_17 : memref<64xi32, #tpu.memory_space<vmem>>) semaphore(%arg13 : memref<!tpu.dma_semaphore, #tpu.memory_space<semaphore_mem>>)
      %add3A_21 = arith.constant 1 : i32
      %add3A_22 = arith.addi %add3A_11, %add3A_21 : i32
      %mul3A_23 = arith.constant 64 : i32
      %mul3A_24 = arith.muli %add3A_22, %mul3A_23 : i32
      %dma_start3A_25 = tpu.memref_slice %arg7[%mul3A_24] : memref<2176xi32, #tpu.memory_space<vmem>> -> memref<64xi32, #tpu.memory_space<vmem>>
      %dma_start3A_26 = arith.constant 0 : i32
      %dma_start3A_27 = arith.constant 0 : i32
      %dma_start3A_28 = tpu.memref_slice %arg2[%dma_start3A_26, %dma_start3A_27] : memref<524288x128xf32, #tpu.memory_space<hbm>> -> memref<524288x128xf32, #tpu.memory_space<hbm>>
      tpu.enqueue_indirect_dma source(%dma_start3A_28 : memref<524288x128xf32, #tpu.memory_space<hbm>>) target(%arg10 : memref<64x128xf32, #tpu.memory_space<vmem>>) offsets(%dma_start3A_25 : memref<64xi32, #tpu.memory_space<vmem>>) semaphore(%arg14 : memref<!tpu.dma_semaphore, #tpu.memory_space<semaphore_mem>>)
      %dma_start3A_29 = tpu.memref_slice %arg7[%mul3A_24] : memref<2176xi32, #tpu.memory_space<vmem>> -> memref<64xi32, #tpu.memory_space<vmem>>
      %dma_start3A_30 = arith.constant 0 : i32
      %dma_start3A_31 = arith.constant 0 : i32
      %dma_start3A_32 = tpu.memref_slice %arg3[%dma_start3A_30, %dma_start3A_31] : memref<524288x128xf32, #tpu.memory_space<hbm>> -> memref<524288x128xf32, #tpu.memory_space<hbm>>
      tpu.enqueue_indirect_dma source(%dma_start3A_32 : memref<524288x128xf32, #tpu.memory_space<hbm>>) target(%arg11 : memref<64x128xf32, #tpu.memory_space<vmem>>) offsets(%dma_start3A_29 : memref<64xi32, #tpu.memory_space<vmem>>) semaphore(%arg15 : memref<!tpu.dma_semaphore, #tpu.memory_space<semaphore_mem>>)
      %dma_wait3A = tpu.memref_slice %arg7[%mul3A_13] : memref<2176xi32, #tpu.memory_space<vmem>> -> memref<64xi32, #tpu.memory_space<vmem>>
      %dma_wait3A_33 = arith.constant 0 : i32
      %dma_wait3A_34 = arith.constant 0 : i32
      %dma_wait3A_35 = tpu.memref_slice %arg2[%dma_wait3A_33, %dma_wait3A_34] : memref<524288x128xf32, #tpu.memory_space<hbm>> -> memref<524288x128xf32, #tpu.memory_space<hbm>>
      tpu.wait_indirect_dma semaphore(%arg12 : memref<!tpu.dma_semaphore, #tpu.memory_space<semaphore_mem>>) src(%dma_wait3A_35 : memref<524288x128xf32, #tpu.memory_space<hbm>>) dst(%arg8 : memref<64x128xf32, #tpu.memory_space<vmem>>)
      %dma_wait3A_36 = tpu.memref_slice %arg7[%mul3A_13] : memref<2176xi32, #tpu.memory_space<vmem>> -> memref<64xi32, #tpu.memory_space<vmem>>
      %dma_wait3A_37 = arith.constant 0 : i32
      %dma_wait3A_38 = arith.constant 0 : i32
      %dma_wait3A_39 = tpu.memref_slice %arg3[%dma_wait3A_37, %dma_wait3A_38] : memref<524288x128xf32, #tpu.memory_space<hbm>> -> memref<524288x128xf32, #tpu.memory_space<hbm>>
      tpu.wait_indirect_dma semaphore(%arg13 : memref<!tpu.dma_semaphore, #tpu.memory_space<semaphore_mem>>) src(%dma_wait3A_39 : memref<524288x128xf32, #tpu.memory_space<hbm>>) dst(%arg9 : memref<64x128xf32, #tpu.memory_space<vmem>>)
      %mul3A_40 = arith.constant 64 : i32
      %mul3A_41 = arith.muli %add3A_11, %mul3A_40 : i32
      %add3A_42 = arith.addi %mul3A_2, %mul3A_41 : i32
      %dma_start3A_43 = arith.constant 0 : i32
      %dma_start3A_44 = tpu.memref_slice %arg5[%add3A_42, %dma_start3A_43] : memref<69632x128xf32, #tpu.memory_space<hbm>> -> memref<64x128xf32, #tpu.memory_space<hbm>>
      %dma_start3A_45 = arith.constant 0 : i32
      %dma_start3A_46 = tpu.memref_slice %arg5[%add3A_42, %dma_start3A_45] : memref<69632x128xf32, #tpu.memory_space<hbm>> -> memref<64x128xf32, #tpu.memory_space<hbm>>
      tpu.enqueue_dma source(%arg8 : memref<64x128xf32, #tpu.memory_space<vmem>>) target(%dma_start3A_46 : memref<64x128xf32, #tpu.memory_space<hbm>>) target_semaphore(%arg16 : memref<!tpu.dma_semaphore, #tpu.memory_space<semaphore_mem>>)
      %mul3A_47 = arith.constant 64 : i32
      %mul3A_48 = arith.muli %add3A_11, %mul3A_47 : i32
      %add3A_49 = arith.addi %mul3A_2, %mul3A_48 : i32
      %dma_start3A_50 = arith.constant 0 : i32
      %dma_start3A_51 = tpu.memref_slice %arg6[%add3A_49, %dma_start3A_50] : memref<69632x128xf32, #tpu.memory_space<hbm>> -> memref<64x128xf32, #tpu.memory_space<hbm>>
      %dma_start3A_52 = arith.constant 0 : i32
      %dma_start3A_53 = tpu.memref_slice %arg6[%add3A_49, %dma_start3A_52] : memref<69632x128xf32, #tpu.memory_space<hbm>> -> memref<64x128xf32, #tpu.memory_space<hbm>>
      tpu.enqueue_dma source(%arg9 : memref<64x128xf32, #tpu.memory_space<vmem>>) target(%dma_start3A_53 : memref<64x128xf32, #tpu.memory_space<hbm>>) target_semaphore(%arg17 : memref<!tpu.dma_semaphore, #tpu.memory_space<semaphore_mem>>)
      %dma_wait3A_54 = tpu.memref_slice %arg7[%mul3A_24] : memref<2176xi32, #tpu.memory_space<vmem>> -> memref<64xi32, #tpu.memory_space<vmem>>
      %dma_wait3A_55 = arith.constant 0 : i32
      %dma_wait3A_56 = arith.constant 0 : i32
      %dma_wait3A_57 = tpu.memref_slice %arg2[%dma_wait3A_55, %dma_wait3A_56] : memref<524288x128xf32, #tpu.memory_space<hbm>> -> memref<524288x128xf32, #tpu.memory_space<hbm>>
      tpu.wait_indirect_dma semaphore(%arg14 : memref<!tpu.dma_semaphore, #tpu.memory_space<semaphore_mem>>) src(%dma_wait3A_57 : memref<524288x128xf32, #tpu.memory_space<hbm>>) dst(%arg10 : memref<64x128xf32, #tpu.memory_space<vmem>>)
      %dma_wait3A_58 = tpu.memref_slice %arg7[%mul3A_24] : memref<2176xi32, #tpu.memory_space<vmem>> -> memref<64xi32, #tpu.memory_space<vmem>>
      %dma_wait3A_59 = arith.constant 0 : i32
      %dma_wait3A_60 = arith.constant 0 : i32
      %dma_wait3A_61 = tpu.memref_slice %arg3[%dma_wait3A_59, %dma_wait3A_60] : memref<524288x128xf32, #tpu.memory_space<hbm>> -> memref<524288x128xf32, #tpu.memory_space<hbm>>
      tpu.wait_indirect_dma semaphore(%arg15 : memref<!tpu.dma_semaphore, #tpu.memory_space<semaphore_mem>>) src(%dma_wait3A_61 : memref<524288x128xf32, #tpu.memory_space<hbm>>) dst(%arg11 : memref<64x128xf32, #tpu.memory_space<vmem>>)
      %add3A_62 = arith.constant 1 : i32
      %add3A_63 = arith.addi %add3A_11, %add3A_62 : i32
      %mul3A_64 = arith.constant 64 : i32
      %mul3A_65 = arith.muli %add3A_63, %mul3A_64 : i32
      %add3A_66 = arith.addi %mul3A_2, %mul3A_65 : i32
      %dma_start3A_67 = arith.constant 0 : i32
      %dma_start3A_68 = tpu.memref_slice %arg5[%add3A_66, %dma_start3A_67] : memref<69632x128xf32, #tpu.memory_space<hbm>> -> memref<64x128xf32, #tpu.memory_space<hbm>>
      %dma_start3A_69 = arith.constant 0 : i32
      %dma_start3A_70 = tpu.memref_slice %arg5[%add3A_66, %dma_start3A_69] : memref<69632x128xf32, #tpu.memory_space<hbm>> -> memref<64x128xf32, #tpu.memory_space<hbm>>
      tpu.enqueue_dma source(%arg10 : memref<64x128xf32, #tpu.memory_space<vmem>>) target(%dma_start3A_70 : memref<64x128xf32, #tpu.memory_space<hbm>>) target_semaphore(%arg18 : memref<!tpu.dma_semaphore, #tpu.memory_space<semaphore_mem>>)
      %add3A_71 = arith.constant 1 : i32
      %add3A_72 = arith.addi %add3A_11, %add3A_71 : i32
      %mul3A_73 = arith.constant 64 : i32
      %mul3A_74 = arith.muli %add3A_72, %mul3A_73 : i32
      %add3A_75 = arith.addi %mul3A_2, %mul3A_74 : i32
      %dma_start3A_76 = arith.constant 0 : i32
      %dma_start3A_77 = tpu.memref_slice %arg6[%add3A_75, %dma_start3A_76] : memref<69632x128xf32, #tpu.memory_space<hbm>> -> memref<64x128xf32, #tpu.memory_space<hbm>>
      %dma_start3A_78 = arith.constant 0 : i32
      %dma_start3A_79 = tpu.memref_slice %arg6[%add3A_75, %dma_start3A_78] : memref<69632x128xf32, #tpu.memory_space<hbm>> -> memref<64x128xf32, #tpu.memory_space<hbm>>
      tpu.enqueue_dma source(%arg11 : memref<64x128xf32, #tpu.memory_space<vmem>>) target(%dma_start3A_79 : memref<64x128xf32, #tpu.memory_space<hbm>>) target_semaphore(%arg19 : memref<!tpu.dma_semaphore, #tpu.memory_space<semaphore_mem>>)
      %dma_wait3A_80 = arith.constant 0 : i32
      %dma_wait3A_81 = tpu.memref_slice %arg5[%add3A_42, %dma_wait3A_80] : memref<69632x128xf32, #tpu.memory_space<hbm>> -> memref<64x128xf32, #tpu.memory_space<hbm>>
      %dma_wait3A_82 = arith.constant 0 : i32
      %dma_wait3A_83 = tpu.memref_slice %arg5[%add3A_42, %dma_wait3A_82] : memref<69632x128xf32, #tpu.memory_space<hbm>> -> memref<64x128xf32, #tpu.memory_space<hbm>>
      tpu.wait_dma2 semaphore(%arg16 : memref<!tpu.dma_semaphore, #tpu.memory_space<semaphore_mem>>) src(%arg8 : memref<64x128xf32, #tpu.memory_space<vmem>>) dst(%dma_wait3A_83 : memref<64x128xf32, #tpu.memory_space<hbm>>)
      %dma_wait3A_84 = arith.constant 0 : i32
      %dma_wait3A_85 = tpu.memref_slice %arg6[%add3A_49, %dma_wait3A_84] : memref<69632x128xf32, #tpu.memory_space<hbm>> -> memref<64x128xf32, #tpu.memory_space<hbm>>
      %dma_wait3A_86 = arith.constant 0 : i32
      %dma_wait3A_87 = tpu.memref_slice %arg6[%add3A_49, %dma_wait3A_86] : memref<69632x128xf32, #tpu.memory_space<hbm>> -> memref<64x128xf32, #tpu.memory_space<hbm>>
      tpu.wait_dma2 semaphore(%arg17 : memref<!tpu.dma_semaphore, #tpu.memory_space<semaphore_mem>>) src(%arg9 : memref<64x128xf32, #tpu.memory_space<vmem>>) dst(%dma_wait3A_87 : memref<64x128xf32, #tpu.memory_space<hbm>>)
      %dma_wait3A_88 = arith.constant 0 : i32
      %dma_wait3A_89 = tpu.memref_slice %arg5[%add3A_66, %dma_wait3A_88] : memref<69632x128xf32, #tpu.memory_space<hbm>> -> memref<64x128xf32, #tpu.memory_space<hbm>>
      %dma_wait3A_90 = arith.constant 0 : i32
      %dma_wait3A_91 = tpu.memref_slice %arg5[%add3A_66, %dma_wait3A_90] : memref<69632x128xf32, #tpu.memory_space<hbm>> -> memref<64x128xf32, #tpu.memory_space<hbm>>
      tpu.wait_dma2 semaphore(%arg18 : memref<!tpu.dma_semaphore, #tpu.memory_space<semaphore_mem>>) src(%arg10 : memref<64x128xf32, #tpu.memory_space<vmem>>) dst(%dma_wait3A_91 : memref<64x128xf32, #tpu.memory_space<hbm>>)
      %dma_wait3A_92 = arith.constant 0 : i32
      %dma_wait3A_93 = tpu.memref_slice %arg6[%add3A_75, %dma_wait3A_92] : memref<69632x128xf32, #tpu.memory_space<hbm>> -> memref<64x128xf32, #tpu.memory_space<hbm>>
      %dma_wait3A_94 = arith.constant 0 : i32
      %dma_wait3A_95 = tpu.memref_slice %arg6[%add3A_75, %dma_wait3A_94] : memref<69632x128xf32, #tpu.memory_space<hbm>> -> memref<64x128xf32, #tpu.memory_space<hbm>>
      tpu.wait_dma2 semaphore(%arg19 : memref<!tpu.dma_semaphore, #tpu.memory_space<semaphore_mem>>) src(%arg11 : memref<64x128xf32, #tpu.memory_space<vmem>>) dst(%dma_wait3A_95 : memref<64x128xf32, #tpu.memory_space<hbm>>)
    }
    %scan3A_6 = arith.constant 17 : i32
    return
  }
}

#map = affine_map<(d0, d1) -> (0, 0)>
#map1 = affine_map<(d0, d1) -> (0)>
module attributes {stable_mosaic.version = 14 : i64} {
  func.func @kern(%arg0: i32, %arg1: i32, %arg2: memref<524288x128xf32, #tpu.memory_space<hbm>>, %arg3: memref<524288x128xf32, #tpu.memory_space<hbm>>, %arg4: memref<69632xi32, #tpu.memory_space<hbm>>, %arg5: memref<69632x128xf32, #tpu.memory_space<hbm>>, %arg6: memref<69632x128xf32, #tpu.memory_space<hbm>>, %arg7: memref<2176xi32, #tpu.memory_space<vmem>>, %arg8: memref<64x128xf32, #tpu.memory_space<vmem>>, %arg9: memref<64x128xf32, #tpu.memory_space<vmem>>, %arg10: memref<64x128xf32, #tpu.memory_space<vmem>>, %arg11: memref<64x128xf32, #tpu.memory_space<vmem>>, %arg12: memref<!tpu.dma_semaphore, #tpu.memory_space<semaphore_mem>>, %arg13: memref<!tpu.dma_semaphore, #tpu.memory_space<semaphore_mem>>, %arg14: memref<!tpu.dma_semaphore, #tpu.memory_space<semaphore_mem>>, %arg15: memref<!tpu.dma_semaphore, #tpu.memory_space<semaphore_mem>>, %arg16: memref<!tpu.dma_semaphore, #tpu.memory_space<semaphore_mem>>, %arg17: memref<!tpu.dma_semaphore, #tpu.memory_space<semaphore_mem>>, %arg18: memref<!tpu.dma_semaphore, #tpu.memory_space<semaphore_mem>>, %arg19: memref<!tpu.dma_semaphore, #tpu.memory_space<semaphore_mem>>) attributes {dimension_semantics = [#tpu.dimension_semantics<core_parallel>, #tpu.dimension_semantics<subcore_parallel>], iteration_bounds = array<i64: 2, 16>, scalar_prefetch = 0 : i64, scratch_operands = 13 : i64, tpu.core_type = #tpu.core_type<sc_vector_subcore>, window_params = [{transform_indices = #map}, {transform_indices = #map}, {transform_indices = #map1}, {transform_indices = #map}, {transform_indices = #map}]} {
    %mul3A = arith.constant 2 : i32
    %mul3A_0 = arith.muli %arg1, %mul3A : i32
    %add3A = arith.addi %mul3A_0, %arg0 : i32
    %mul3A_1 = arith.constant 2176 : i32
    %mul3A_2 = arith.muli %add3A, %mul3A_1 : i32
    "tpu.region"() ({
      %run_scoped3A = tpu.sem_alloc : memref<!tpu.dma_semaphore, #tpu.memory_space<semaphore_mem>>
      %dma_start3A = tpu.memref_slice %arg4[%mul3A_2] : memref<69632xi32, #tpu.memory_space<hbm>> -> memref<2176xi32, #tpu.memory_space<hbm>>
      %dma_start3A_7 = tpu.memref_slice %arg4[%mul3A_2] : memref<69632xi32, #tpu.memory_space<hbm>> -> memref<2176xi32, #tpu.memory_space<hbm>>
      tpu.enqueue_dma source(%dma_start3A_7 : memref<2176xi32, #tpu.memory_space<hbm>>) target(%arg7 : memref<2176xi32, #tpu.memory_space<vmem>>) target_semaphore(%run_scoped3A : memref<!tpu.dma_semaphore, #tpu.memory_space<semaphore_mem>>)
      %dma_wait3A = tpu.memref_slice %arg4[%mul3A_2] : memref<69632xi32, #tpu.memory_space<hbm>> -> memref<2176xi32, #tpu.memory_space<hbm>>
      %dma_wait3A_8 = tpu.memref_slice %arg4[%mul3A_2] : memref<69632xi32, #tpu.memory_space<hbm>> -> memref<2176xi32, #tpu.memory_space<hbm>>
      tpu.wait_dma2 semaphore(%run_scoped3A : memref<!tpu.dma_semaphore, #tpu.memory_space<semaphore_mem>>) src(%dma_wait3A_8 : memref<2176xi32, #tpu.memory_space<hbm>>) dst(%arg7 : memref<2176xi32, #tpu.memory_space<vmem>>)
      tpu.yield
    }) : () -> ()
    %scan3A = arith.constant 0 : i32
    %scan3A_3 = arith.constant 17 : i32
    %scan3A_4 = arith.addi %scan3A, %scan3A_3 : i32
    %scan3A_5 = arith.constant 1 : i32
    scf.for %scan3A_7 = %scan3A to %scan3A_4 step %scan3A_5  : i32 {
      %mul3A_8 = arith.constant 2 : i32
      %mul3A_9 = arith.muli %scan3A_7, %mul3A_8 : i32
      %add3A_10 = arith.constant 0 : i32
      %add3A_11 = arith.addi %add3A_10, %mul3A_9 : i32
      %mul3A_12 = arith.constant 64 : i32
      %mul3A_13 = arith.muli %add3A_11, %mul3A_12 : i32
      %dma_start3A = tpu.memref_slice %arg7[%mul3A_13] : memref<2176xi32, #tpu.memory_space<vmem>> -> memref<64xi32, #tpu.memory_space<vmem>>
      %dma_start3A_14 = arith.constant 0 : i32
      %dma_start3A_15 = arith.constant 0 : i32
      %dma_start3A_16 = tpu.memref_slice %arg2[%dma_start3A_14, %dma_start3A_15] : memref<524288x128xf32, #tpu.memory_space<hbm>> -> memref<524288x128xf32, #tpu.memory_space<hbm>>
      tpu.enqueue_indirect_dma source(%dma_start3A_16 : memref<524288x128xf32, #tpu.memory_space<hbm>>) target(%arg8 : memref<64x128xf32, #tpu.memory_space<vmem>>) offsets(%dma_start3A : memref<64xi32, #tpu.memory_space<vmem>>) semaphore(%arg12 : memref<!tpu.dma_semaphore, #tpu.memory_space<semaphore_mem>>)
      %dma_start3A_17 = tpu.memref_slice %arg7[%mul3A_13] : memref<2176xi32, #tpu.memory_space<vmem>> -> memref<64xi32, #tpu.memory_space<vmem>>
      %dma_start3A_18 = arith.constant 0 : i32
      %dma_start3A_19 = arith.constant 0 : i32
      %dma_start3A_20 = tpu.memref_slice %arg3[%dma_start3A_18, %dma_start3A_19] : memref<524288x128xf32, #tpu.memory_space<hbm>> -> memref<524288x128xf32, #tpu.memory_space<hbm>>
      tpu.enqueue_indirect_dma source(%dma_start3A_20 : memref<524288x128xf32, #tpu.memory_space<hbm>>) target(%arg9 : memref<64x128xf32, #tpu.memory_space<vmem>>) offsets(%dma_start3A_17 : memref<64xi32, #tpu.memory_space<vmem>>) semaphore(%arg13 : memref<!tpu.dma_semaphore, #tpu.memory_space<semaphore_mem>>)
      %add3A_21 = arith.constant 1 : i32
      %add3A_22 = arith.addi %add3A_11, %add3A_21 : i32
      %mul3A_23 = arith.constant 64 : i32
      %mul3A_24 = arith.muli %add3A_22, %mul3A_23 : i32
      %dma_start3A_25 = tpu.memref_slice %arg7[%mul3A_24] : memref<2176xi32, #tpu.memory_space<vmem>> -> memref<64xi32, #tpu.memory_space<vmem>>
      %dma_start3A_26 = arith.constant 0 : i32
      %dma_start3A_27 = arith.constant 0 : i32
      %dma_start3A_28 = tpu.memref_slice %arg2[%dma_start3A_26, %dma_start3A_27] : memref<524288x128xf32, #tpu.memory_space<hbm>> -> memref<524288x128xf32, #tpu.memory_space<hbm>>
      tpu.enqueue_indirect_dma source(%dma_start3A_28 : memref<524288x128xf32, #tpu.memory_space<hbm>>) target(%arg10 : memref<64x128xf32, #tpu.memory_space<vmem>>) offsets(%dma_start3A_25 : memref<64xi32, #tpu.memory_space<vmem>>) semaphore(%arg14 : memref<!tpu.dma_semaphore, #tpu.memory_space<semaphore_mem>>)
      %dma_start3A_29 = tpu.memref_slice %arg7[%mul3A_24] : memref<2176xi32, #tpu.memory_space<vmem>> -> memref<64xi32, #tpu.memory_space<vmem>>
      %dma_start3A_30 = arith.constant 0 : i32
      %dma_start3A_31 = arith.constant 0 : i32
      %dma_start3A_32 = tpu.memref_slice %arg3[%dma_start3A_30, %dma_start3A_31] : memref<524288x128xf32, #tpu.memory_space<hbm>> -> memref<524288x128xf32, #tpu.memory_space<hbm>>
      tpu.enqueue_indirect_dma source(%dma_start3A_32 : memref<524288x128xf32, #tpu.memory_space<hbm>>) target(%arg11 : memref<64x128xf32, #tpu.memory_space<vmem>>) offsets(%dma_start3A_29 : memref<64xi32, #tpu.memory_space<vmem>>) semaphore(%arg15 : memref<!tpu.dma_semaphore, #tpu.memory_space<semaphore_mem>>)
      %dma_wait3A = tpu.memref_slice %arg7[%mul3A_13] : memref<2176xi32, #tpu.memory_space<vmem>> -> memref<64xi32, #tpu.memory_space<vmem>>
      %dma_wait3A_33 = arith.constant 0 : i32
      %dma_wait3A_34 = arith.constant 0 : i32
      %dma_wait3A_35 = tpu.memref_slice %arg2[%dma_wait3A_33, %dma_wait3A_34] : memref<524288x128xf32, #tpu.memory_space<hbm>> -> memref<524288x128xf32, #tpu.memory_space<hbm>>
      tpu.wait_indirect_dma semaphore(%arg12 : memref<!tpu.dma_semaphore, #tpu.memory_space<semaphore_mem>>) src(%dma_wait3A_35 : memref<524288x128xf32, #tpu.memory_space<hbm>>) dst(%arg8 : memref<64x128xf32, #tpu.memory_space<vmem>>)
      %dma_wait3A_36 = tpu.memref_slice %arg7[%mul3A_13] : memref<2176xi32, #tpu.memory_space<vmem>> -> memref<64xi32, #tpu.memory_space<vmem>>
      %dma_wait3A_37 = arith.constant 0 : i32
      %dma_wait3A_38 = arith.constant 0 : i32
      %dma_wait3A_39 = tpu.memref_slice %arg3[%dma_wait3A_37, %dma_wait3A_38] : memref<524288x128xf32, #tpu.memory_space<hbm>> -> memref<524288x128xf32, #tpu.memory_space<hbm>>
      tpu.wait_indirect_dma semaphore(%arg13 : memref<!tpu.dma_semaphore, #tpu.memory_space<semaphore_mem>>) src(%dma_wait3A_39 : memref<524288x128xf32, #tpu.memory_space<hbm>>) dst(%arg9 : memref<64x128xf32, #tpu.memory_space<vmem>>)
      %mul3A_40 = arith.constant 64 : i32
      %mul3A_41 = arith.muli %add3A_11, %mul3A_40 : i32
      %add3A_42 = arith.addi %mul3A_2, %mul3A_41 : i32
      %dma_start3A_43 = arith.constant 0 : i32
      %dma_start3A_44 = tpu.memref_slice %arg5[%add3A_42, %dma_start3A_43] : memref<69632x128xf32, #tpu.memory_space<hbm>> -> memref<64x128xf32, #tpu.memory_space<hbm>>
      %dma_start3A_45 = arith.constant 0 : i32
      %dma_start3A_46 = tpu.memref_slice %arg5[%add3A_42, %dma_start3A_45] : memref<69632x128xf32, #tpu.memory_space<hbm>> -> memref<64x128xf32, #tpu.memory_space<hbm>>
      tpu.enqueue_dma source(%arg8 : memref<64x128xf32, #tpu.memory_space<vmem>>) target(%dma_start3A_46 : memref<64x128xf32, #tpu.memory_space<hbm>>) target_semaphore(%arg16 : memref<!tpu.dma_semaphore, #tpu.memory_space<semaphore_mem>>)
      %mul3A_47 = arith.constant 64 : i32
      %mul3A_48 = arith.muli %add3A_11, %mul3A_47 : i32
      %add3A_49 = arith.addi %mul3A_2, %mul3A_48 : i32
      %dma_start3A_50 = arith.constant 0 : i32
      %dma_start3A_51 = tpu.memref_slice %arg6[%add3A_49, %dma_start3A_50] : memref<69632x128xf32, #tpu.memory_space<hbm>> -> memref<64x128xf32, #tpu.memory_space<hbm>>
      %dma_start3A_52 = arith.constant 0 : i32
      %dma_start3A_53 = tpu.memref_slice %arg6[%add3A_49, %dma_start3A_52] : memref<69632x128xf32, #tpu.memory_space<hbm>> -> memref<64x128xf32, #tpu.memory_space<hbm>>
      tpu.enqueue_dma source(%arg9 : memref<64x128xf32, #tpu.memory_space<vmem>>) target(%dma_start3A_53 : memref<64x128xf32, #tpu.memory_space<hbm>>) target_semaphore(%arg17 : memref<!tpu.dma_semaphore, #tpu.memory_space<semaphore_mem>>)
      %dma_wait3A_54 = tpu.memref_slice %arg7[%mul3A_24] : memref<2176xi32, #tpu.memory_space<vmem>> -> memref<64xi32, #tpu.memory_space<vmem>>
      %dma_wait3A_55 = arith.constant 0 : i32
      %dma_wait3A_56 = arith.constant 0 : i32
      %dma_wait3A_57 = tpu.memref_slice %arg2[%dma_wait3A_55, %dma_wait3A_56] : memref<524288x128xf32, #tpu.memory_space<hbm>> -> memref<524288x128xf32, #tpu.memory_space<hbm>>
      tpu.wait_indirect_dma semaphore(%arg14 : memref<!tpu.dma_semaphore, #tpu.memory_space<semaphore_mem>>) src(%dma_wait3A_57 : memref<524288x128xf32, #tpu.memory_space<hbm>>) dst(%arg10 : memref<64x128xf32, #tpu.memory_space<vmem>>)
      %dma_wait3A_58 = tpu.memref_slice %arg7[%mul3A_24] : memref<2176xi32, #tpu.memory_space<vmem>> -> memref<64xi32, #tpu.memory_space<vmem>>
      %dma_wait3A_59 = arith.constant 0 : i32
      %dma_wait3A_60 = arith.constant 0 : i32
      %dma_wait3A_61 = tpu.memref_slice %arg3[%dma_wait3A_59, %dma_wait3A_60] : memref<524288x128xf32, #tpu.memory_space<hbm>> -> memref<524288x128xf32, #tpu.memory_space<hbm>>
      tpu.wait_indirect_dma semaphore(%arg15 : memref<!tpu.dma_semaphore, #tpu.memory_space<semaphore_mem>>) src(%dma_wait3A_61 : memref<524288x128xf32, #tpu.memory_space<hbm>>) dst(%arg11 : memref<64x128xf32, #tpu.memory_space<vmem>>)
      %add3A_62 = arith.constant 1 : i32
      %add3A_63 = arith.addi %add3A_11, %add3A_62 : i32
      %mul3A_64 = arith.constant 64 : i32
      %mul3A_65 = arith.muli %add3A_63, %mul3A_64 : i32
      %add3A_66 = arith.addi %mul3A_2, %mul3A_65 : i32
      %dma_start3A_67 = arith.constant 0 : i32
      %dma_start3A_68 = tpu.memref_slice %arg5[%add3A_66, %dma_start3A_67] : memref<69632x128xf32, #tpu.memory_space<hbm>> -> memref<64x128xf32, #tpu.memory_space<hbm>>
      %dma_start3A_69 = arith.constant 0 : i32
      %dma_start3A_70 = tpu.memref_slice %arg5[%add3A_66, %dma_start3A_69] : memref<69632x128xf32, #tpu.memory_space<hbm>> -> memref<64x128xf32, #tpu.memory_space<hbm>>
      tpu.enqueue_dma source(%arg10 : memref<64x128xf32, #tpu.memory_space<vmem>>) target(%dma_start3A_70 : memref<64x128xf32, #tpu.memory_space<hbm>>) target_semaphore(%arg18 : memref<!tpu.dma_semaphore, #tpu.memory_space<semaphore_mem>>)
      %add3A_71 = arith.constant 1 : i32
      %add3A_72 = arith.addi %add3A_11, %add3A_71 : i32
      %mul3A_73 = arith.constant 64 : i32
      %mul3A_74 = arith.muli %add3A_72, %mul3A_73 : i32
      %add3A_75 = arith.addi %mul3A_2, %mul3A_74 : i32
      %dma_start3A_76 = arith.constant 0 : i32
      %dma_start3A_77 = tpu.memref_slice %arg6[%add3A_75, %dma_start3A_76] : memref<69632x128xf32, #tpu.memory_space<hbm>> -> memref<64x128xf32, #tpu.memory_space<hbm>>
      %dma_start3A_78 = arith.constant 0 : i32
      %dma_start3A_79 = tpu.memref_slice %arg6[%add3A_75, %dma_start3A_78] : memref<69632x128xf32, #tpu.memory_space<hbm>> -> memref<64x128xf32, #tpu.memory_space<hbm>>
      tpu.enqueue_dma source(%arg11 : memref<64x128xf32, #tpu.memory_space<vmem>>) target(%dma_start3A_79 : memref<64x128xf32, #tpu.memory_space<hbm>>) target_semaphore(%arg19 : memref<!tpu.dma_semaphore, #tpu.memory_space<semaphore_mem>>)
      %dma_wait3A_80 = arith.constant 0 : i32
      %dma_wait3A_81 = tpu.memref_slice %arg5[%add3A_42, %dma_wait3A_80] : memref<69632x128xf32, #tpu.memory_space<hbm>> -> memref<64x128xf32, #tpu.memory_space<hbm>>
      %dma_wait3A_82 = arith.constant 0 : i32
      %dma_wait3A_83 = tpu.memref_slice %arg5[%add3A_42, %dma_wait3A_82] : memref<69632x128xf32, #tpu.memory_space<hbm>> -> memref<64x128xf32, #tpu.memory_space<hbm>>
      tpu.wait_dma2 semaphore(%arg16 : memref<!tpu.dma_semaphore, #tpu.memory_space<semaphore_mem>>) src(%arg8 : memref<64x128xf32, #tpu.memory_space<vmem>>) dst(%dma_wait3A_83 : memref<64x128xf32, #tpu.memory_space<hbm>>)
      %dma_wait3A_84 = arith.constant 0 : i32
      %dma_wait3A_85 = tpu.memref_slice %arg6[%add3A_49, %dma_wait3A_84] : memref<69632x128xf32, #tpu.memory_space<hbm>> -> memref<64x128xf32, #tpu.memory_space<hbm>>
      %dma_wait3A_86 = arith.constant 0 : i32
      %dma_wait3A_87 = tpu.memref_slice %arg6[%add3A_49, %dma_wait3A_86] : memref<69632x128xf32, #tpu.memory_space<hbm>> -> memref<64x128xf32, #tpu.memory_space<hbm>>
      tpu.wait_dma2 semaphore(%arg17 : memref<!tpu.dma_semaphore, #tpu.memory_space<semaphore_mem>>) src(%arg9 : memref<64x128xf32, #tpu.memory_space<vmem>>) dst(%dma_wait3A_87 : memref<64x128xf32, #tpu.memory_space<hbm>>)
      %dma_wait3A_88 = arith.constant 0 : i32
      %dma_wait3A_89 = tpu.memref_slice %arg5[%add3A_66, %dma_wait3A_88] : memref<69632x128xf32, #tpu.memory_space<hbm>> -> memref<64x128xf32, #tpu.memory_space<hbm>>
      %dma_wait3A_90 = arith.constant 0 : i32
      %dma_wait3A_91 = tpu.memref_slice %arg5[%add3A_66, %dma_wait3A_90] : memref<69632x128xf32, #tpu.memory_space<hbm>> -> memref<64x128xf32, #tpu.memory_space<hbm>>
      tpu.wait_dma2 semaphore(%arg18 : memref<!tpu.dma_semaphore, #tpu.memory_space<semaphore_mem>>) src(%arg10 : memref<64x128xf32, #tpu.memory_space<vmem>>) dst(%dma_wait3A_91 : memref<64x128xf32, #tpu.memory_space<hbm>>)
      %dma_wait3A_92 = arith.constant 0 : i32
      %dma_wait3A_93 = tpu.memref_slice %arg6[%add3A_75, %dma_wait3A_92] : memref<69632x128xf32, #tpu.memory_space<hbm>> -> memref<64x128xf32, #tpu.memory_space<hbm>>
      %dma_wait3A_94 = arith.constant 0 : i32
      %dma_wait3A_95 = tpu.memref_slice %arg6[%add3A_75, %dma_wait3A_94] : memref<69632x128xf32, #tpu.memory_space<hbm>> -> memref<64x128xf32, #tpu.memory_space<hbm>>
      tpu.wait_dma2 semaphore(%arg19 : memref<!tpu.dma_semaphore, #tpu.memory_space<semaphore_mem>>) src(%arg11 : memref<64x128xf32, #tpu.memory_space<vmem>>) dst(%dma_wait3A_95 : memref<64x128xf32, #tpu.memory_space<hbm>>)
    }
    %scan3A_6 = arith.constant 17 : i32
    return
  }
}

#map = affine_map<(d0, d1) -> (0, 0)>
#map1 = affine_map<(d0, d1) -> (0)>
module attributes {stable_mosaic.version = 14 : i64} {
  func.func @kern(%arg0: i32, %arg1: i32, %arg2: memref<524288x128xf32, #tpu.memory_space<hbm>>, %arg3: memref<524288x128xf32, #tpu.memory_space<hbm>>, %arg4: memref<69632xi32, #tpu.memory_space<hbm>>, %arg5: memref<69632x128xf32, #tpu.memory_space<hbm>>, %arg6: memref<69632x128xf32, #tpu.memory_space<hbm>>, %arg7: memref<2176xi32, #tpu.memory_space<vmem>>, %arg8: memref<64x128xf32, #tpu.memory_space<vmem>>, %arg9: memref<64x128xf32, #tpu.memory_space<vmem>>, %arg10: memref<64x128xf32, #tpu.memory_space<vmem>>, %arg11: memref<64x128xf32, #tpu.memory_space<vmem>>, %arg12: memref<!tpu.dma_semaphore, #tpu.memory_space<semaphore_mem>>, %arg13: memref<!tpu.dma_semaphore, #tpu.memory_space<semaphore_mem>>, %arg14: memref<!tpu.dma_semaphore, #tpu.memory_space<semaphore_mem>>, %arg15: memref<!tpu.dma_semaphore, #tpu.memory_space<semaphore_mem>>, %arg16: memref<!tpu.dma_semaphore, #tpu.memory_space<semaphore_mem>>, %arg17: memref<!tpu.dma_semaphore, #tpu.memory_space<semaphore_mem>>, %arg18: memref<!tpu.dma_semaphore, #tpu.memory_space<semaphore_mem>>, %arg19: memref<!tpu.dma_semaphore, #tpu.memory_space<semaphore_mem>>) attributes {dimension_semantics = [#tpu.dimension_semantics<core_parallel>, #tpu.dimension_semantics<subcore_parallel>], iteration_bounds = array<i64: 2, 16>, scalar_prefetch = 0 : i64, scratch_operands = 13 : i64, tpu.core_type = #tpu.core_type<sc_vector_subcore>, window_params = [{transform_indices = #map}, {transform_indices = #map}, {transform_indices = #map1}, {transform_indices = #map}, {transform_indices = #map}]} {
    %mul3A = arith.constant 2 : i32
    %mul3A_0 = arith.muli %arg1, %mul3A : i32
    %add3A = arith.addi %mul3A_0, %arg0 : i32
    %mul3A_1 = arith.constant 2176 : i32
    %mul3A_2 = arith.muli %add3A, %mul3A_1 : i32
    "tpu.region"() ({
      %run_scoped3A = tpu.sem_alloc : memref<!tpu.dma_semaphore, #tpu.memory_space<semaphore_mem>>
      %dma_start3A = tpu.memref_slice %arg4[%mul3A_2] : memref<69632xi32, #tpu.memory_space<hbm>> -> memref<2176xi32, #tpu.memory_space<hbm>>
      %dma_start3A_7 = tpu.memref_slice %arg4[%mul3A_2] : memref<69632xi32, #tpu.memory_space<hbm>> -> memref<2176xi32, #tpu.memory_space<hbm>>
      tpu.enqueue_dma source(%dma_start3A_7 : memref<2176xi32, #tpu.memory_space<hbm>>) target(%arg7 : memref<2176xi32, #tpu.memory_space<vmem>>) target_semaphore(%run_scoped3A : memref<!tpu.dma_semaphore, #tpu.memory_space<semaphore_mem>>)
      %dma_wait3A = tpu.memref_slice %arg4[%mul3A_2] : memref<69632xi32, #tpu.memory_space<hbm>> -> memref<2176xi32, #tpu.memory_space<hbm>>
      %dma_wait3A_8 = tpu.memref_slice %arg4[%mul3A_2] : memref<69632xi32, #tpu.memory_space<hbm>> -> memref<2176xi32, #tpu.memory_space<hbm>>
      tpu.wait_dma2 semaphore(%run_scoped3A : memref<!tpu.dma_semaphore, #tpu.memory_space<semaphore_mem>>) src(%dma_wait3A_8 : memref<2176xi32, #tpu.memory_space<hbm>>) dst(%arg7 : memref<2176xi32, #tpu.memory_space<vmem>>)
      tpu.yield
    }) : () -> ()
    %scan3A = arith.constant 0 : i32
    %scan3A_3 = arith.constant 17 : i32
    %scan3A_4 = arith.addi %scan3A, %scan3A_3 : i32
    %scan3A_5 = arith.constant 1 : i32
    scf.for %scan3A_7 = %scan3A to %scan3A_4 step %scan3A_5  : i32 {
      %mul3A_8 = arith.constant 2 : i32
      %mul3A_9 = arith.muli %scan3A_7, %mul3A_8 : i32
      %add3A_10 = arith.constant 0 : i32
      %add3A_11 = arith.addi %add3A_10, %mul3A_9 : i32
      %mul3A_12 = arith.constant 64 : i32
      %mul3A_13 = arith.muli %add3A_11, %mul3A_12 : i32
      %dma_start3A = tpu.memref_slice %arg7[%mul3A_13] : memref<2176xi32, #tpu.memory_space<vmem>> -> memref<64xi32, #tpu.memory_space<vmem>>
      %dma_start3A_14 = arith.constant 0 : i32
      %dma_start3A_15 = arith.constant 0 : i32
      %dma_start3A_16 = tpu.memref_slice %arg2[%dma_start3A_14, %dma_start3A_15] : memref<524288x128xf32, #tpu.memory_space<hbm>> -> memref<524288x128xf32, #tpu.memory_space<hbm>>
      tpu.enqueue_indirect_dma source(%dma_start3A_16 : memref<524288x128xf32, #tpu.memory_space<hbm>>) target(%arg8 : memref<64x128xf32, #tpu.memory_space<vmem>>) offsets(%dma_start3A : memref<64xi32, #tpu.memory_space<vmem>>) semaphore(%arg12 : memref<!tpu.dma_semaphore, #tpu.memory_space<semaphore_mem>>)
      %dma_start3A_17 = tpu.memref_slice %arg7[%mul3A_13] : memref<2176xi32, #tpu.memory_space<vmem>> -> memref<64xi32, #tpu.memory_space<vmem>>
      %dma_start3A_18 = arith.constant 0 : i32
      %dma_start3A_19 = arith.constant 0 : i32
      %dma_start3A_20 = tpu.memref_slice %arg3[%dma_start3A_18, %dma_start3A_19] : memref<524288x128xf32, #tpu.memory_space<hbm>> -> memref<524288x128xf32, #tpu.memory_space<hbm>>
      tpu.enqueue_indirect_dma source(%dma_start3A_20 : memref<524288x128xf32, #tpu.memory_space<hbm>>) target(%arg9 : memref<64x128xf32, #tpu.memory_space<vmem>>) offsets(%dma_start3A_17 : memref<64xi32, #tpu.memory_space<vmem>>) semaphore(%arg13 : memref<!tpu.dma_semaphore, #tpu.memory_space<semaphore_mem>>)
      %add3A_21 = arith.constant 1 : i32
      %add3A_22 = arith.addi %add3A_11, %add3A_21 : i32
      %mul3A_23 = arith.constant 64 : i32
      %mul3A_24 = arith.muli %add3A_22, %mul3A_23 : i32
      %dma_start3A_25 = tpu.memref_slice %arg7[%mul3A_24] : memref<2176xi32, #tpu.memory_space<vmem>> -> memref<64xi32, #tpu.memory_space<vmem>>
      %dma_start3A_26 = arith.constant 0 : i32
      %dma_start3A_27 = arith.constant 0 : i32
      %dma_start3A_28 = tpu.memref_slice %arg2[%dma_start3A_26, %dma_start3A_27] : memref<524288x128xf32, #tpu.memory_space<hbm>> -> memref<524288x128xf32, #tpu.memory_space<hbm>>
      tpu.enqueue_indirect_dma source(%dma_start3A_28 : memref<524288x128xf32, #tpu.memory_space<hbm>>) target(%arg10 : memref<64x128xf32, #tpu.memory_space<vmem>>) offsets(%dma_start3A_25 : memref<64xi32, #tpu.memory_space<vmem>>) semaphore(%arg14 : memref<!tpu.dma_semaphore, #tpu.memory_space<semaphore_mem>>)
      %dma_start3A_29 = tpu.memref_slice %arg7[%mul3A_24] : memref<2176xi32, #tpu.memory_space<vmem>> -> memref<64xi32, #tpu.memory_space<vmem>>
      %dma_start3A_30 = arith.constant 0 : i32
      %dma_start3A_31 = arith.constant 0 : i32
      %dma_start3A_32 = tpu.memref_slice %arg3[%dma_start3A_30, %dma_start3A_31] : memref<524288x128xf32, #tpu.memory_space<hbm>> -> memref<524288x128xf32, #tpu.memory_space<hbm>>
      tpu.enqueue_indirect_dma source(%dma_start3A_32 : memref<524288x128xf32, #tpu.memory_space<hbm>>) target(%arg11 : memref<64x128xf32, #tpu.memory_space<vmem>>) offsets(%dma_start3A_29 : memref<64xi32, #tpu.memory_space<vmem>>) semaphore(%arg15 : memref<!tpu.dma_semaphore, #tpu.memory_space<semaphore_mem>>)
      %dma_wait3A = tpu.memref_slice %arg7[%mul3A_13] : memref<2176xi32, #tpu.memory_space<vmem>> -> memref<64xi32, #tpu.memory_space<vmem>>
      %dma_wait3A_33 = arith.constant 0 : i32
      %dma_wait3A_34 = arith.constant 0 : i32
      %dma_wait3A_35 = tpu.memref_slice %arg2[%dma_wait3A_33, %dma_wait3A_34] : memref<524288x128xf32, #tpu.memory_space<hbm>> -> memref<524288x128xf32, #tpu.memory_space<hbm>>
      tpu.wait_indirect_dma semaphore(%arg12 : memref<!tpu.dma_semaphore, #tpu.memory_space<semaphore_mem>>) src(%dma_wait3A_35 : memref<524288x128xf32, #tpu.memory_space<hbm>>) dst(%arg8 : memref<64x128xf32, #tpu.memory_space<vmem>>)
      %dma_wait3A_36 = tpu.memref_slice %arg7[%mul3A_13] : memref<2176xi32, #tpu.memory_space<vmem>> -> memref<64xi32, #tpu.memory_space<vmem>>
      %dma_wait3A_37 = arith.constant 0 : i32
      %dma_wait3A_38 = arith.constant 0 : i32
      %dma_wait3A_39 = tpu.memref_slice %arg3[%dma_wait3A_37, %dma_wait3A_38] : memref<524288x128xf32, #tpu.memory_space<hbm>> -> memref<524288x128xf32, #tpu.memory_space<hbm>>
      tpu.wait_indirect_dma semaphore(%arg13 : memref<!tpu.dma_semaphore, #tpu.memory_space<semaphore_mem>>) src(%dma_wait3A_39 : memref<524288x128xf32, #tpu.memory_space<hbm>>) dst(%arg9 : memref<64x128xf32, #tpu.memory_space<vmem>>)
      %mul3A_40 = arith.constant 64 : i32
      %mul3A_41 = arith.muli %add3A_11, %mul3A_40 : i32
      %add3A_42 = arith.addi %mul3A_2, %mul3A_41 : i32
      %dma_start3A_43 = arith.constant 0 : i32
      %dma_start3A_44 = tpu.memref_slice %arg5[%add3A_42, %dma_start3A_43] : memref<69632x128xf32, #tpu.memory_space<hbm>> -> memref<64x128xf32, #tpu.memory_space<hbm>>
      %dma_start3A_45 = arith.constant 0 : i32
      %dma_start3A_46 = tpu.memref_slice %arg5[%add3A_42, %dma_start3A_45] : memref<69632x128xf32, #tpu.memory_space<hbm>> -> memref<64x128xf32, #tpu.memory_space<hbm>>
      tpu.enqueue_dma source(%arg8 : memref<64x128xf32, #tpu.memory_space<vmem>>) target(%dma_start3A_46 : memref<64x128xf32, #tpu.memory_space<hbm>>) target_semaphore(%arg16 : memref<!tpu.dma_semaphore, #tpu.memory_space<semaphore_mem>>)
      %mul3A_47 = arith.constant 64 : i32
      %mul3A_48 = arith.muli %add3A_11, %mul3A_47 : i32
      %add3A_49 = arith.addi %mul3A_2, %mul3A_48 : i32
      %dma_start3A_50 = arith.constant 0 : i32
      %dma_start3A_51 = tpu.memref_slice %arg6[%add3A_49, %dma_start3A_50] : memref<69632x128xf32, #tpu.memory_space<hbm>> -> memref<64x128xf32, #tpu.memory_space<hbm>>
      %dma_start3A_52 = arith.constant 0 : i32
      %dma_start3A_53 = tpu.memref_slice %arg6[%add3A_49, %dma_start3A_52] : memref<69632x128xf32, #tpu.memory_space<hbm>> -> memref<64x128xf32, #tpu.memory_space<hbm>>
      tpu.enqueue_dma source(%arg9 : memref<64x128xf32, #tpu.memory_space<vmem>>) target(%dma_start3A_53 : memref<64x128xf32, #tpu.memory_space<hbm>>) target_semaphore(%arg17 : memref<!tpu.dma_semaphore, #tpu.memory_space<semaphore_mem>>)
      %dma_wait3A_54 = tpu.memref_slice %arg7[%mul3A_24] : memref<2176xi32, #tpu.memory_space<vmem>> -> memref<64xi32, #tpu.memory_space<vmem>>
      %dma_wait3A_55 = arith.constant 0 : i32
      %dma_wait3A_56 = arith.constant 0 : i32
      %dma_wait3A_57 = tpu.memref_slice %arg2[%dma_wait3A_55, %dma_wait3A_56] : memref<524288x128xf32, #tpu.memory_space<hbm>> -> memref<524288x128xf32, #tpu.memory_space<hbm>>
      tpu.wait_indirect_dma semaphore(%arg14 : memref<!tpu.dma_semaphore, #tpu.memory_space<semaphore_mem>>) src(%dma_wait3A_57 : memref<524288x128xf32, #tpu.memory_space<hbm>>) dst(%arg10 : memref<64x128xf32, #tpu.memory_space<vmem>>)
      %dma_wait3A_58 = tpu.memref_slice %arg7[%mul3A_24] : memref<2176xi32, #tpu.memory_space<vmem>> -> memref<64xi32, #tpu.memory_space<vmem>>
      %dma_wait3A_59 = arith.constant 0 : i32
      %dma_wait3A_60 = arith.constant 0 : i32
      %dma_wait3A_61 = tpu.memref_slice %arg3[%dma_wait3A_59, %dma_wait3A_60] : memref<524288x128xf32, #tpu.memory_space<hbm>> -> memref<524288x128xf32, #tpu.memory_space<hbm>>
      tpu.wait_indirect_dma semaphore(%arg15 : memref<!tpu.dma_semaphore, #tpu.memory_space<semaphore_mem>>) src(%dma_wait3A_61 : memref<524288x128xf32, #tpu.memory_space<hbm>>) dst(%arg11 : memref<64x128xf32, #tpu.memory_space<vmem>>)
      %add3A_62 = arith.constant 1 : i32
      %add3A_63 = arith.addi %add3A_11, %add3A_62 : i32
      %mul3A_64 = arith.constant 64 : i32
      %mul3A_65 = arith.muli %add3A_63, %mul3A_64 : i32
      %add3A_66 = arith.addi %mul3A_2, %mul3A_65 : i32
      %dma_start3A_67 = arith.constant 0 : i32
      %dma_start3A_68 = tpu.memref_slice %arg5[%add3A_66, %dma_start3A_67] : memref<69632x128xf32, #tpu.memory_space<hbm>> -> memref<64x128xf32, #tpu.memory_space<hbm>>
      %dma_start3A_69 = arith.constant 0 : i32
      %dma_start3A_70 = tpu.memref_slice %arg5[%add3A_66, %dma_start3A_69] : memref<69632x128xf32, #tpu.memory_space<hbm>> -> memref<64x128xf32, #tpu.memory_space<hbm>>
      tpu.enqueue_dma source(%arg10 : memref<64x128xf32, #tpu.memory_space<vmem>>) target(%dma_start3A_70 : memref<64x128xf32, #tpu.memory_space<hbm>>) target_semaphore(%arg18 : memref<!tpu.dma_semaphore, #tpu.memory_space<semaphore_mem>>)
      %add3A_71 = arith.constant 1 : i32
      %add3A_72 = arith.addi %add3A_11, %add3A_71 : i32
      %mul3A_73 = arith.constant 64 : i32
      %mul3A_74 = arith.muli %add3A_72, %mul3A_73 : i32
      %add3A_75 = arith.addi %mul3A_2, %mul3A_74 : i32
      %dma_start3A_76 = arith.constant 0 : i32
      %dma_start3A_77 = tpu.memref_slice %arg6[%add3A_75, %dma_start3A_76] : memref<69632x128xf32, #tpu.memory_space<hbm>> -> memref<64x128xf32, #tpu.memory_space<hbm>>
      %dma_start3A_78 = arith.constant 0 : i32
      %dma_start3A_79 = tpu.memref_slice %arg6[%add3A_75, %dma_start3A_78] : memref<69632x128xf32, #tpu.memory_space<hbm>> -> memref<64x128xf32, #tpu.memory_space<hbm>>
      tpu.enqueue_dma source(%arg11 : memref<64x128xf32, #tpu.memory_space<vmem>>) target(%dma_start3A_79 : memref<64x128xf32, #tpu.memory_space<hbm>>) target_semaphore(%arg19 : memref<!tpu.dma_semaphore, #tpu.memory_space<semaphore_mem>>)
      %dma_wait3A_80 = arith.constant 0 : i32
      %dma_wait3A_81 = tpu.memref_slice %arg5[%add3A_42, %dma_wait3A_80] : memref<69632x128xf32, #tpu.memory_space<hbm>> -> memref<64x128xf32, #tpu.memory_space<hbm>>
      %dma_wait3A_82 = arith.constant 0 : i32
      %dma_wait3A_83 = tpu.memref_slice %arg5[%add3A_42, %dma_wait3A_82] : memref<69632x128xf32, #tpu.memory_space<hbm>> -> memref<64x128xf32, #tpu.memory_space<hbm>>
      tpu.wait_dma2 semaphore(%arg16 : memref<!tpu.dma_semaphore, #tpu.memory_space<semaphore_mem>>) src(%arg8 : memref<64x128xf32, #tpu.memory_space<vmem>>) dst(%dma_wait3A_83 : memref<64x128xf32, #tpu.memory_space<hbm>>)
      %dma_wait3A_84 = arith.constant 0 : i32
      %dma_wait3A_85 = tpu.memref_slice %arg6[%add3A_49, %dma_wait3A_84] : memref<69632x128xf32, #tpu.memory_space<hbm>> -> memref<64x128xf32, #tpu.memory_space<hbm>>
      %dma_wait3A_86 = arith.constant 0 : i32
      %dma_wait3A_87 = tpu.memref_slice %arg6[%add3A_49, %dma_wait3A_86] : memref<69632x128xf32, #tpu.memory_space<hbm>> -> memref<64x128xf32, #tpu.memory_space<hbm>>
      tpu.wait_dma2 semaphore(%arg17 : memref<!tpu.dma_semaphore, #tpu.memory_space<semaphore_mem>>) src(%arg9 : memref<64x128xf32, #tpu.memory_space<vmem>>) dst(%dma_wait3A_87 : memref<64x128xf32, #tpu.memory_space<hbm>>)
      %dma_wait3A_88 = arith.constant 0 : i32
      %dma_wait3A_89 = tpu.memref_slice %arg5[%add3A_66, %dma_wait3A_88] : memref<69632x128xf32, #tpu.memory_space<hbm>> -> memref<64x128xf32, #tpu.memory_space<hbm>>
      %dma_wait3A_90 = arith.constant 0 : i32
      %dma_wait3A_91 = tpu.memref_slice %arg5[%add3A_66, %dma_wait3A_90] : memref<69632x128xf32, #tpu.memory_space<hbm>> -> memref<64x128xf32, #tpu.memory_space<hbm>>
      tpu.wait_dma2 semaphore(%arg18 : memref<!tpu.dma_semaphore, #tpu.memory_space<semaphore_mem>>) src(%arg10 : memref<64x128xf32, #tpu.memory_space<vmem>>) dst(%dma_wait3A_91 : memref<64x128xf32, #tpu.memory_space<hbm>>)
      %dma_wait3A_92 = arith.constant 0 : i32
      %dma_wait3A_93 = tpu.memref_slice %arg6[%add3A_75, %dma_wait3A_92] : memref<69632x128xf32, #tpu.memory_space<hbm>> -> memref<64x128xf32, #tpu.memory_space<hbm>>
      %dma_wait3A_94 = arith.constant 0 : i32
      %dma_wait3A_95 = tpu.memref_slice %arg6[%add3A_75, %dma_wait3A_94] : memref<69632x128xf32, #tpu.memory_space<hbm>> -> memref<64x128xf32, #tpu.memory_space<hbm>>
      tpu.wait_dma2 semaphore(%arg19 : memref<!tpu.dma_semaphore, #tpu.memory_space<semaphore_mem>>) src(%arg11 : memref<64x128xf32, #tpu.memory_space<vmem>>) dst(%dma_wait3A_95 : memref<64x128xf32, #tpu.memory_space<hbm>>)
    }
    %scan3A_6 = arith.constant 17 : i32
    return
  }
}

#map = affine_map<(d0, d1) -> (0, 0)>
#map1 = affine_map<(d0, d1) -> (0)>
module attributes {stable_mosaic.version = 14 : i64} {
  func.func @kern(%arg0: i32, %arg1: i32, %arg2: memref<524288x128xf32, #tpu.memory_space<hbm>>, %arg3: memref<524288x128xf32, #tpu.memory_space<hbm>>, %arg4: memref<69632xi32, #tpu.memory_space<hbm>>, %arg5: memref<69632x128xf32, #tpu.memory_space<hbm>>, %arg6: memref<69632x128xf32, #tpu.memory_space<hbm>>, %arg7: memref<2176xi32, #tpu.memory_space<vmem>>, %arg8: memref<64x128xf32, #tpu.memory_space<vmem>>, %arg9: memref<64x128xf32, #tpu.memory_space<vmem>>, %arg10: memref<64x128xf32, #tpu.memory_space<vmem>>, %arg11: memref<64x128xf32, #tpu.memory_space<vmem>>, %arg12: memref<!tpu.dma_semaphore, #tpu.memory_space<semaphore_mem>>, %arg13: memref<!tpu.dma_semaphore, #tpu.memory_space<semaphore_mem>>, %arg14: memref<!tpu.dma_semaphore, #tpu.memory_space<semaphore_mem>>, %arg15: memref<!tpu.dma_semaphore, #tpu.memory_space<semaphore_mem>>, %arg16: memref<!tpu.dma_semaphore, #tpu.memory_space<semaphore_mem>>, %arg17: memref<!tpu.dma_semaphore, #tpu.memory_space<semaphore_mem>>, %arg18: memref<!tpu.dma_semaphore, #tpu.memory_space<semaphore_mem>>, %arg19: memref<!tpu.dma_semaphore, #tpu.memory_space<semaphore_mem>>) attributes {dimension_semantics = [#tpu.dimension_semantics<core_parallel>, #tpu.dimension_semantics<subcore_parallel>], iteration_bounds = array<i64: 2, 16>, scalar_prefetch = 0 : i64, scratch_operands = 13 : i64, tpu.core_type = #tpu.core_type<sc_vector_subcore>, window_params = [{transform_indices = #map}, {transform_indices = #map}, {transform_indices = #map1}, {transform_indices = #map}, {transform_indices = #map}]} {
    %mul3A = arith.constant 2 : i32
    %mul3A_0 = arith.muli %arg1, %mul3A : i32
    %add3A = arith.addi %mul3A_0, %arg0 : i32
    %mul3A_1 = arith.constant 2176 : i32
    %mul3A_2 = arith.muli %add3A, %mul3A_1 : i32
    "tpu.region"() ({
      %run_scoped3A = tpu.sem_alloc : memref<!tpu.dma_semaphore, #tpu.memory_space<semaphore_mem>>
      %dma_start3A = tpu.memref_slice %arg4[%mul3A_2] : memref<69632xi32, #tpu.memory_space<hbm>> -> memref<2176xi32, #tpu.memory_space<hbm>>
      %dma_start3A_7 = tpu.memref_slice %arg4[%mul3A_2] : memref<69632xi32, #tpu.memory_space<hbm>> -> memref<2176xi32, #tpu.memory_space<hbm>>
      tpu.enqueue_dma source(%dma_start3A_7 : memref<2176xi32, #tpu.memory_space<hbm>>) target(%arg7 : memref<2176xi32, #tpu.memory_space<vmem>>) target_semaphore(%run_scoped3A : memref<!tpu.dma_semaphore, #tpu.memory_space<semaphore_mem>>)
      %dma_wait3A = tpu.memref_slice %arg4[%mul3A_2] : memref<69632xi32, #tpu.memory_space<hbm>> -> memref<2176xi32, #tpu.memory_space<hbm>>
      %dma_wait3A_8 = tpu.memref_slice %arg4[%mul3A_2] : memref<69632xi32, #tpu.memory_space<hbm>> -> memref<2176xi32, #tpu.memory_space<hbm>>
      tpu.wait_dma2 semaphore(%run_scoped3A : memref<!tpu.dma_semaphore, #tpu.memory_space<semaphore_mem>>) src(%dma_wait3A_8 : memref<2176xi32, #tpu.memory_space<hbm>>) dst(%arg7 : memref<2176xi32, #tpu.memory_space<vmem>>)
      tpu.yield
    }) : () -> ()
    %scan3A = arith.constant 0 : i32
    %scan3A_3 = arith.constant 17 : i32
    %scan3A_4 = arith.addi %scan3A, %scan3A_3 : i32
    %scan3A_5 = arith.constant 1 : i32
    scf.for %scan3A_7 = %scan3A to %scan3A_4 step %scan3A_5  : i32 {
      %mul3A_8 = arith.constant 2 : i32
      %mul3A_9 = arith.muli %scan3A_7, %mul3A_8 : i32
      %add3A_10 = arith.constant 0 : i32
      %add3A_11 = arith.addi %add3A_10, %mul3A_9 : i32
      %mul3A_12 = arith.constant 64 : i32
      %mul3A_13 = arith.muli %add3A_11, %mul3A_12 : i32
      %dma_start3A = tpu.memref_slice %arg7[%mul3A_13] : memref<2176xi32, #tpu.memory_space<vmem>> -> memref<64xi32, #tpu.memory_space<vmem>>
      %dma_start3A_14 = arith.constant 0 : i32
      %dma_start3A_15 = arith.constant 0 : i32
      %dma_start3A_16 = tpu.memref_slice %arg2[%dma_start3A_14, %dma_start3A_15] : memref<524288x128xf32, #tpu.memory_space<hbm>> -> memref<524288x128xf32, #tpu.memory_space<hbm>>
      tpu.enqueue_indirect_dma source(%dma_start3A_16 : memref<524288x128xf32, #tpu.memory_space<hbm>>) target(%arg8 : memref<64x128xf32, #tpu.memory_space<vmem>>) offsets(%dma_start3A : memref<64xi32, #tpu.memory_space<vmem>>) semaphore(%arg12 : memref<!tpu.dma_semaphore, #tpu.memory_space<semaphore_mem>>)
      %dma_start3A_17 = tpu.memref_slice %arg7[%mul3A_13] : memref<2176xi32, #tpu.memory_space<vmem>> -> memref<64xi32, #tpu.memory_space<vmem>>
      %dma_start3A_18 = arith.constant 0 : i32
      %dma_start3A_19 = arith.constant 0 : i32
      %dma_start3A_20 = tpu.memref_slice %arg3[%dma_start3A_18, %dma_start3A_19] : memref<524288x128xf32, #tpu.memory_space<hbm>> -> memref<524288x128xf32, #tpu.memory_space<hbm>>
      tpu.enqueue_indirect_dma source(%dma_start3A_20 : memref<524288x128xf32, #tpu.memory_space<hbm>>) target(%arg9 : memref<64x128xf32, #tpu.memory_space<vmem>>) offsets(%dma_start3A_17 : memref<64xi32, #tpu.memory_space<vmem>>) semaphore(%arg13 : memref<!tpu.dma_semaphore, #tpu.memory_space<semaphore_mem>>)
      %add3A_21 = arith.constant 1 : i32
      %add3A_22 = arith.addi %add3A_11, %add3A_21 : i32
      %mul3A_23 = arith.constant 64 : i32
      %mul3A_24 = arith.muli %add3A_22, %mul3A_23 : i32
      %dma_start3A_25 = tpu.memref_slice %arg7[%mul3A_24] : memref<2176xi32, #tpu.memory_space<vmem>> -> memref<64xi32, #tpu.memory_space<vmem>>
      %dma_start3A_26 = arith.constant 0 : i32
      %dma_start3A_27 = arith.constant 0 : i32
      %dma_start3A_28 = tpu.memref_slice %arg2[%dma_start3A_26, %dma_start3A_27] : memref<524288x128xf32, #tpu.memory_space<hbm>> -> memref<524288x128xf32, #tpu.memory_space<hbm>>
      tpu.enqueue_indirect_dma source(%dma_start3A_28 : memref<524288x128xf32, #tpu.memory_space<hbm>>) target(%arg10 : memref<64x128xf32, #tpu.memory_space<vmem>>) offsets(%dma_start3A_25 : memref<64xi32, #tpu.memory_space<vmem>>) semaphore(%arg14 : memref<!tpu.dma_semaphore, #tpu.memory_space<semaphore_mem>>)
      %dma_start3A_29 = tpu.memref_slice %arg7[%mul3A_24] : memref<2176xi32, #tpu.memory_space<vmem>> -> memref<64xi32, #tpu.memory_space<vmem>>
      %dma_start3A_30 = arith.constant 0 : i32
      %dma_start3A_31 = arith.constant 0 : i32
      %dma_start3A_32 = tpu.memref_slice %arg3[%dma_start3A_30, %dma_start3A_31] : memref<524288x128xf32, #tpu.memory_space<hbm>> -> memref<524288x128xf32, #tpu.memory_space<hbm>>
      tpu.enqueue_indirect_dma source(%dma_start3A_32 : memref<524288x128xf32, #tpu.memory_space<hbm>>) target(%arg11 : memref<64x128xf32, #tpu.memory_space<vmem>>) offsets(%dma_start3A_29 : memref<64xi32, #tpu.memory_space<vmem>>) semaphore(%arg15 : memref<!tpu.dma_semaphore, #tpu.memory_space<semaphore_mem>>)
      %dma_wait3A = tpu.memref_slice %arg7[%mul3A_13] : memref<2176xi32, #tpu.memory_space<vmem>> -> memref<64xi32, #tpu.memory_space<vmem>>
      %dma_wait3A_33 = arith.constant 0 : i32
      %dma_wait3A_34 = arith.constant 0 : i32
      %dma_wait3A_35 = tpu.memref_slice %arg2[%dma_wait3A_33, %dma_wait3A_34] : memref<524288x128xf32, #tpu.memory_space<hbm>> -> memref<524288x128xf32, #tpu.memory_space<hbm>>
      tpu.wait_indirect_dma semaphore(%arg12 : memref<!tpu.dma_semaphore, #tpu.memory_space<semaphore_mem>>) src(%dma_wait3A_35 : memref<524288x128xf32, #tpu.memory_space<hbm>>) dst(%arg8 : memref<64x128xf32, #tpu.memory_space<vmem>>)
      %dma_wait3A_36 = tpu.memref_slice %arg7[%mul3A_13] : memref<2176xi32, #tpu.memory_space<vmem>> -> memref<64xi32, #tpu.memory_space<vmem>>
      %dma_wait3A_37 = arith.constant 0 : i32
      %dma_wait3A_38 = arith.constant 0 : i32
      %dma_wait3A_39 = tpu.memref_slice %arg3[%dma_wait3A_37, %dma_wait3A_38] : memref<524288x128xf32, #tpu.memory_space<hbm>> -> memref<524288x128xf32, #tpu.memory_space<hbm>>
      tpu.wait_indirect_dma semaphore(%arg13 : memref<!tpu.dma_semaphore, #tpu.memory_space<semaphore_mem>>) src(%dma_wait3A_39 : memref<524288x128xf32, #tpu.memory_space<hbm>>) dst(%arg9 : memref<64x128xf32, #tpu.memory_space<vmem>>)
      %mul3A_40 = arith.constant 64 : i32
      %mul3A_41 = arith.muli %add3A_11, %mul3A_40 : i32
      %add3A_42 = arith.addi %mul3A_2, %mul3A_41 : i32
      %dma_start3A_43 = arith.constant 0 : i32
      %dma_start3A_44 = tpu.memref_slice %arg5[%add3A_42, %dma_start3A_43] : memref<69632x128xf32, #tpu.memory_space<hbm>> -> memref<64x128xf32, #tpu.memory_space<hbm>>
      %dma_start3A_45 = arith.constant 0 : i32
      %dma_start3A_46 = tpu.memref_slice %arg5[%add3A_42, %dma_start3A_45] : memref<69632x128xf32, #tpu.memory_space<hbm>> -> memref<64x128xf32, #tpu.memory_space<hbm>>
      tpu.enqueue_dma source(%arg8 : memref<64x128xf32, #tpu.memory_space<vmem>>) target(%dma_start3A_46 : memref<64x128xf32, #tpu.memory_space<hbm>>) target_semaphore(%arg16 : memref<!tpu.dma_semaphore, #tpu.memory_space<semaphore_mem>>)
      %mul3A_47 = arith.constant 64 : i32
      %mul3A_48 = arith.muli %add3A_11, %mul3A_47 : i32
      %add3A_49 = arith.addi %mul3A_2, %mul3A_48 : i32
      %dma_start3A_50 = arith.constant 0 : i32
      %dma_start3A_51 = tpu.memref_slice %arg6[%add3A_49, %dma_start3A_50] : memref<69632x128xf32, #tpu.memory_space<hbm>> -> memref<64x128xf32, #tpu.memory_space<hbm>>
      %dma_start3A_52 = arith.constant 0 : i32
      %dma_start3A_53 = tpu.memref_slice %arg6[%add3A_49, %dma_start3A_52] : memref<69632x128xf32, #tpu.memory_space<hbm>> -> memref<64x128xf32, #tpu.memory_space<hbm>>
      tpu.enqueue_dma source(%arg9 : memref<64x128xf32, #tpu.memory_space<vmem>>) target(%dma_start3A_53 : memref<64x128xf32, #tpu.memory_space<hbm>>) target_semaphore(%arg17 : memref<!tpu.dma_semaphore, #tpu.memory_space<semaphore_mem>>)
      %dma_wait3A_54 = tpu.memref_slice %arg7[%mul3A_24] : memref<2176xi32, #tpu.memory_space<vmem>> -> memref<64xi32, #tpu.memory_space<vmem>>
      %dma_wait3A_55 = arith.constant 0 : i32
      %dma_wait3A_56 = arith.constant 0 : i32
      %dma_wait3A_57 = tpu.memref_slice %arg2[%dma_wait3A_55, %dma_wait3A_56] : memref<524288x128xf32, #tpu.memory_space<hbm>> -> memref<524288x128xf32, #tpu.memory_space<hbm>>
      tpu.wait_indirect_dma semaphore(%arg14 : memref<!tpu.dma_semaphore, #tpu.memory_space<semaphore_mem>>) src(%dma_wait3A_57 : memref<524288x128xf32, #tpu.memory_space<hbm>>) dst(%arg10 : memref<64x128xf32, #tpu.memory_space<vmem>>)
      %dma_wait3A_58 = tpu.memref_slice %arg7[%mul3A_24] : memref<2176xi32, #tpu.memory_space<vmem>> -> memref<64xi32, #tpu.memory_space<vmem>>
      %dma_wait3A_59 = arith.constant 0 : i32
      %dma_wait3A_60 = arith.constant 0 : i32
      %dma_wait3A_61 = tpu.memref_slice %arg3[%dma_wait3A_59, %dma_wait3A_60] : memref<524288x128xf32, #tpu.memory_space<hbm>> -> memref<524288x128xf32, #tpu.memory_space<hbm>>
      tpu.wait_indirect_dma semaphore(%arg15 : memref<!tpu.dma_semaphore, #tpu.memory_space<semaphore_mem>>) src(%dma_wait3A_61 : memref<524288x128xf32, #tpu.memory_space<hbm>>) dst(%arg11 : memref<64x128xf32, #tpu.memory_space<vmem>>)
      %add3A_62 = arith.constant 1 : i32
      %add3A_63 = arith.addi %add3A_11, %add3A_62 : i32
      %mul3A_64 = arith.constant 64 : i32
      %mul3A_65 = arith.muli %add3A_63, %mul3A_64 : i32
      %add3A_66 = arith.addi %mul3A_2, %mul3A_65 : i32
      %dma_start3A_67 = arith.constant 0 : i32
      %dma_start3A_68 = tpu.memref_slice %arg5[%add3A_66, %dma_start3A_67] : memref<69632x128xf32, #tpu.memory_space<hbm>> -> memref<64x128xf32, #tpu.memory_space<hbm>>
      %dma_start3A_69 = arith.constant 0 : i32
      %dma_start3A_70 = tpu.memref_slice %arg5[%add3A_66, %dma_start3A_69] : memref<69632x128xf32, #tpu.memory_space<hbm>> -> memref<64x128xf32, #tpu.memory_space<hbm>>
      tpu.enqueue_dma source(%arg10 : memref<64x128xf32, #tpu.memory_space<vmem>>) target(%dma_start3A_70 : memref<64x128xf32, #tpu.memory_space<hbm>>) target_semaphore(%arg18 : memref<!tpu.dma_semaphore, #tpu.memory_space<semaphore_mem>>)
      %add3A_71 = arith.constant 1 : i32
      %add3A_72 = arith.addi %add3A_11, %add3A_71 : i32
      %mul3A_73 = arith.constant 64 : i32
      %mul3A_74 = arith.muli %add3A_72, %mul3A_73 : i32
      %add3A_75 = arith.addi %mul3A_2, %mul3A_74 : i32
      %dma_start3A_76 = arith.constant 0 : i32
      %dma_start3A_77 = tpu.memref_slice %arg6[%add3A_75, %dma_start3A_76] : memref<69632x128xf32, #tpu.memory_space<hbm>> -> memref<64x128xf32, #tpu.memory_space<hbm>>
      %dma_start3A_78 = arith.constant 0 : i32
      %dma_start3A_79 = tpu.memref_slice %arg6[%add3A_75, %dma_start3A_78] : memref<69632x128xf32, #tpu.memory_space<hbm>> -> memref<64x128xf32, #tpu.memory_space<hbm>>
      tpu.enqueue_dma source(%arg11 : memref<64x128xf32, #tpu.memory_space<vmem>>) target(%dma_start3A_79 : memref<64x128xf32, #tpu.memory_space<hbm>>) target_semaphore(%arg19 : memref<!tpu.dma_semaphore, #tpu.memory_space<semaphore_mem>>)
      %dma_wait3A_80 = arith.constant 0 : i32
      %dma_wait3A_81 = tpu.memref_slice %arg5[%add3A_42, %dma_wait3A_80] : memref<69632x128xf32, #tpu.memory_space<hbm>> -> memref<64x128xf32, #tpu.memory_space<hbm>>
      %dma_wait3A_82 = arith.constant 0 : i32
      %dma_wait3A_83 = tpu.memref_slice %arg5[%add3A_42, %dma_wait3A_82] : memref<69632x128xf32, #tpu.memory_space<hbm>> -> memref<64x128xf32, #tpu.memory_space<hbm>>
      tpu.wait_dma2 semaphore(%arg16 : memref<!tpu.dma_semaphore, #tpu.memory_space<semaphore_mem>>) src(%arg8 : memref<64x128xf32, #tpu.memory_space<vmem>>) dst(%dma_wait3A_83 : memref<64x128xf32, #tpu.memory_space<hbm>>)
      %dma_wait3A_84 = arith.constant 0 : i32
      %dma_wait3A_85 = tpu.memref_slice %arg6[%add3A_49, %dma_wait3A_84] : memref<69632x128xf32, #tpu.memory_space<hbm>> -> memref<64x128xf32, #tpu.memory_space<hbm>>
      %dma_wait3A_86 = arith.constant 0 : i32
      %dma_wait3A_87 = tpu.memref_slice %arg6[%add3A_49, %dma_wait3A_86] : memref<69632x128xf32, #tpu.memory_space<hbm>> -> memref<64x128xf32, #tpu.memory_space<hbm>>
      tpu.wait_dma2 semaphore(%arg17 : memref<!tpu.dma_semaphore, #tpu.memory_space<semaphore_mem>>) src(%arg9 : memref<64x128xf32, #tpu.memory_space<vmem>>) dst(%dma_wait3A_87 : memref<64x128xf32, #tpu.memory_space<hbm>>)
      %dma_wait3A_88 = arith.constant 0 : i32
      %dma_wait3A_89 = tpu.memref_slice %arg5[%add3A_66, %dma_wait3A_88] : memref<69632x128xf32, #tpu.memory_space<hbm>> -> memref<64x128xf32, #tpu.memory_space<hbm>>
      %dma_wait3A_90 = arith.constant 0 : i32
      %dma_wait3A_91 = tpu.memref_slice %arg5[%add3A_66, %dma_wait3A_90] : memref<69632x128xf32, #tpu.memory_space<hbm>> -> memref<64x128xf32, #tpu.memory_space<hbm>>
      tpu.wait_dma2 semaphore(%arg18 : memref<!tpu.dma_semaphore, #tpu.memory_space<semaphore_mem>>) src(%arg10 : memref<64x128xf32, #tpu.memory_space<vmem>>) dst(%dma_wait3A_91 : memref<64x128xf32, #tpu.memory_space<hbm>>)
      %dma_wait3A_92 = arith.constant 0 : i32
      %dma_wait3A_93 = tpu.memref_slice %arg6[%add3A_75, %dma_wait3A_92] : memref<69632x128xf32, #tpu.memory_space<hbm>> -> memref<64x128xf32, #tpu.memory_space<hbm>>
      %dma_wait3A_94 = arith.constant 0 : i32
      %dma_wait3A_95 = tpu.memref_slice %arg6[%add3A_75, %dma_wait3A_94] : memref<69632x128xf32, #tpu.memory_space<hbm>> -> memref<64x128xf32, #tpu.memory_space<hbm>>
      tpu.wait_dma2 semaphore(%arg19 : memref<!tpu.dma_semaphore, #tpu.memory_space<semaphore_mem>>) src(%arg11 : memref<64x128xf32, #tpu.memory_space<vmem>>) dst(%dma_wait3A_95 : memref<64x128xf32, #tpu.memory_space<hbm>>)
    }
    %scan3A_6 = arith.constant 17 : i32
    return
  }
}

module attributes {stable_mosaic.version = 14 : i64} {
  func.func @_proj_body(%arg0: memref<32x2048xf32, #tpu.memory_space<vmem>>, %arg1: memref<2048x2048xf32, #tpu.memory_space<vmem>>, %arg2: memref<1024x2048xf32, #tpu.memory_space<vmem>>, %arg3: memref<1x2048xf32, #tpu.memory_space<vmem>>, %arg4: memref<1x1024xf32, #tpu.memory_space<vmem>>, %arg5: memref<32x2048xf32, #tpu.memory_space<vmem>>, %arg6: memref<32x1024xf32, #tpu.memory_space<vmem>>) attributes {dimension_semantics = [], scalar_prefetch = 0 : i64, scratch_operands = 0 : i64, tpu.core_type = #tpu.core_type<tc>} {
    %get3A = arith.constant 0 : index
    %get3A_0 = arith.constant 0 : index
    %get3A_1 = vector.load %arg0[%get3A, %get3A_0] : memref<32x2048xf32, #tpu.memory_space<vmem>>, vector<32x2048xf32>
    %get3A_2 = arith.constant 0 : index
    %get3A_3 = arith.constant 0 : index
    %get3A_4 = vector.load %arg1[%get3A_2, %get3A_3] : memref<2048x2048xf32, #tpu.memory_space<vmem>>, vector<2048x2048xf32>
    %dot_general3A = arith.constant dense<0.000000e+00> : vector<32x2048xf32>
    %dot_general3A_5 = tpu.matmul %get3A_1, %get3A_4, %dot_general3A {dimension_numbers = #tpu.dot_dimension_numbers<[1], [1], [0], [0], [0, 0, 1, 0], [], []>, precision = #tpu.contract_precision<fp32>, transpose_lhs_hint = false} : vector<32x2048xf32>, vector<2048x2048xf32>, vector<32x2048xf32> -> vector<32x2048xf32>
    %get3A_6 = arith.constant 0 : index
    %get3A_7 = arith.constant 0 : index
    %get3A_8 = vector.load %arg3[%get3A_6, %get3A_7] : memref<1x2048xf32, #tpu.memory_space<vmem>>, vector<1x2048xf32>
    %add3A = vector.broadcast %get3A_8 : vector<1x2048xf32> to vector<32x2048xf32>
    %add3A_9 = arith.addf %dot_general3A_5, %add3A : vector<32x2048xf32>
    %swap3A = arith.constant 0 : index
    %swap3A_10 = arith.constant 0 : index
    %swap3A_11 = vector.load %arg5[%swap3A, %swap3A_10] : memref<32x2048xf32, #tpu.memory_space<vmem>>, vector<32x2048xf32>
    tpu.vector_store %arg5[%swap3A, %swap3A_10], %add3A_9 {strides = array<i32>} : memref<32x2048xf32, #tpu.memory_space<vmem>>, vector<32x2048xf32>,
    %get3A_12 = arith.constant 0 : index
    %get3A_13 = arith.constant 0 : index
    %get3A_14 = vector.load %arg2[%get3A_12, %get3A_13] : memref<1024x2048xf32, #tpu.memory_space<vmem>>, vector<1024x2048xf32>
    %dot_general3A_15 = arith.constant dense<0.000000e+00> : vector<32x1024xf32>
    %dot_general3A_16 = tpu.matmul %get3A_1, %get3A_14, %dot_general3A_15 {dimension_numbers = #tpu.dot_dimension_numbers<[1], [1], [0], [0], [0, 0, 1, 0], [], []>, precision = #tpu.contract_precision<fp32>, transpose_lhs_hint = false} : vector<32x2048xf32>, vector<1024x2048xf32>, vector<32x1024xf32> -> vector<32x1024xf32>
    %get3A_17 = arith.constant 0 : index
    %get3A_18 = arith.constant 0 : index
    %get3A_19 = vector.load %arg4[%get3A_17, %get3A_18] : memref<1x1024xf32, #tpu.memory_space<vmem>>, vector<1x1024xf32>
    %add3A_20 = vector.broadcast %get3A_19 : vector<1x1024xf32> to vector<32x1024xf32>
    %add3A_21 = arith.addf %dot_general3A_16, %add3A_20 : vector<32x1024xf32>
    %swap3A_22 = arith.constant 0 : index
    %swap3A_23 = arith.constant 0 : index
    %swap3A_24 = vector.load %arg6[%swap3A_22, %swap3A_23] : memref<32x1024xf32, #tpu.memory_space<vmem>>, vector<32x1024xf32>
    tpu.vector_store %arg6[%swap3A_22, %swap3A_23], %add3A_21 {strides = array<i32>} : memref<32x1024xf32, #tpu.memory_space<vmem>>, vector<32x1024xf32>,
    return
  }
}

module attributes {stable_mosaic.version = 14 : i64} {
  func.func @_attn_body(%arg0: i32, %arg1: i32, %arg2: memref<8xi32, #tpu.memory_space<smem>>, %arg3: memref<1x1x4x128xf32, #tpu.memory_space<vmem>>, %arg4: memref<1x1x1x128xf32, #tpu.memory_space<vmem>>, %arg5: memref<1x1x1x128xf32, #tpu.memory_space<vmem>>, %arg6: memref<1x128xf32, #tpu.memory_space<vmem>>, %arg7: memref<1x128xf32, #tpu.memory_space<vmem>>, %arg8: memref<32x2048xf32, #tpu.memory_space<vmem>>, %arg9: memref<4x2048xf32, #tpu.memory_space<vmem>>, %arg10: memref<1x1x2048xf32, #tpu.memory_space<vmem>>, %arg11: memref<1x1x4x32xf32, #tpu.memory_space<vmem>>, %arg12: memref<2048x128xf32, #tpu.memory_space<vmem>>, %arg13: memref<2048x128xf32, #tpu.memory_space<vmem>>, %arg14: memref<128x128xf32, #tpu.memory_space<vmem>>, %arg15: memref<128x128xf32, #tpu.memory_space<vmem>>, %arg16: memref<1x1x4x128xf32, #tpu.memory_space<vmem>>) attributes {dimension_semantics = [#tpu.dimension_semantics<arbitrary>, #tpu.dimension_semantics<arbitrary>], iteration_bounds = array<i64: 8, 4>, scalar_prefetch = 0 : i64, scratch_operands = 0 : i64, tpu.core_type = #tpu.core_type<tc>, window_params = [{transform_indices = @transform_0, window_bounds = array<i64: 8>}, {transform_indices = @transform_1, window_bounds = array<i64: 1, 1, 4, 128>}, {transform_indices = @transform_2, window_bounds = array<i64: 1, 1, 1, 128>}, {transform_indices = @transform_3, window_bounds = array<i64: 1, 1, 1, 128>}, {pipeline_mode = #tpu.pipeline_mode<synchronous>, transform_indices = @transform_4, window_bounds = array<i64: 1, 128>}, {pipeline_mode = #tpu.pipeline_mode<synchronous>, transform_indices = @transform_5, window_bounds = array<i64: 1, 128>}, {pipeline_mode = #tpu.pipeline_mode<synchronous>, transform_indices = @transform_6, window_bounds = array<i64: 32, 2048>}, {pipeline_mode = #tpu.pipeline_mode<synchronous>, transform_indices = @transform_7, window_bounds = array<i64: 4, 2048>}, {transform_indices = @transform_8, window_bounds = array<i64: 1, 1, 2048>}, {transform_indices = @transform_9, window_bounds = array<i64: 1, 1, 4, 32>}, {transform_indices = @transform_10, window_bounds = array<i64: 2048, 128>}, {transform_indices = @transform_11, window_bounds = array<i64: 2048, 128>}, {transform_indices = @transform_12, window_bounds = array<i64: 128, 128>}, {transform_indices = @transform_13, window_bounds = array<i64: 128, 128>}, {transform_indices = @transform_14, window_bounds = array<i64: 1, 1, 4, 128>}]} {
    %get3A = arith.index_cast %arg0 : i32 to index
    %get3A_0 = memref.load %arg2[%get3A] : memref<8xi32, #tpu.memory_space<smem>>
    %add3A = arith.constant 1 : i32
    %add3A_1 = arith.addi %get3A_0, %add3A : i32
    %convert_element_type3A = arith.sitofp %add3A_1 : i32 to f32
    %get3A_2 = arith.constant 0 : index
    %get3A_3 = arith.constant 0 : index
    %get3A_4 = arith.constant 0 : index
    %get3A_5 = arith.constant 0 : index
    %get3A_6 = vector.load %arg3[%get3A_2, %get3A_3, %get3A_4, %get3A_5] : memref<1x1x4x128xf32, #tpu.memory_space<vmem>>, vector<1x1x4x128xf32>
    %get3A_7 = vector.shape_cast %get3A_6 : vector<1x1x4x128xf32> to vector<4x128xf32>
    %get3A_8 = arith.constant 0 : index
    %get3A_9 = arith.constant 0 : index
    %get3A_10 = vector.load %arg7[%get3A_8, %get3A_9] : memref<1x128xf32, #tpu.memory_space<vmem>>, vector<1x128xf32>
    %mul3A = arith.mulf %get3A_7, %get3A_7 : vector<4x128xf32>
    %reduce_sum3A = arith.constant dense<0.000000e+00> : vector<4xf32>
    %reduce_sum3A_11 = vector.multi_reduction <add>, %mul3A, %reduce_sum3A [1] : vector<4x128xf32> to vector<4xf32>
    %broadcast_in_dim3A = vector.shape_cast %reduce_sum3A_11 : vector<4xf32> to vector<4x1xf32>
    %div3A = arith.constant 1.280000e+02 : f32
    %div3A_12 = vector.broadcast %div3A : f32 to vector<4x1xf32>
    %div3A_13 = arith.divf %broadcast_in_dim3A, %div3A_12 : vector<4x1xf32>
    %add3A_14 = arith.constant 9.99999997E-7 : f32
    %add3A_15 = vector.broadcast %add3A_14 : f32 to vector<4x1xf32>
    %add3A_16 = arith.addf %div3A_13, %add3A_15 : vector<4x1xf32>
    %rsqrt3A = math.rsqrt %add3A_16 : vector<4x1xf32>
    %mul3A_17 = arith.constant 5.000000e-01 : f32
    %mul3A_18 = vector.broadcast %mul3A_17 : f32 to vector<4x1xf32>
    %mul3A_19 = arith.mulf %mul3A_18, %add3A_16 : vector<4x1xf32>
    %mul3A_20 = arith.mulf %mul3A_19, %rsqrt3A : vector<4x1xf32>
    %mul3A_21 = arith.mulf %mul3A_20, %rsqrt3A : vector<4x1xf32>
    %sub3A = arith.constant 1.500000e+00 : f32
    %sub3A_22 = vector.broadcast %sub3A : f32 to vector<4x1xf32>
    %sub3A_23 = arith.subf %sub3A_22, %mul3A_21 : vector<4x1xf32>
    %mul3A_24 = arith.mulf %rsqrt3A, %sub3A_23 : vector<4x1xf32>
    %mul3A_25 = vector.broadcast %mul3A_24 : vector<4x1xf32> to vector<4x128xf32>
    %mul3A_26 = arith.mulf %get3A_7, %mul3A_25 : vector<4x128xf32>
    %mul3A_27 = vector.broadcast %get3A_10 : vector<1x128xf32> to vector<4x128xf32>
    %mul3A_28 = arith.mulf %mul3A_27, %mul3A_26 : vector<4x128xf32>
    %get3A_29 = arith.constant 0 : index
    %get3A_30 = arith.constant 0 : index
    %get3A_31 = vector.load %arg6[%get3A_29, %get3A_30] : memref<1x128xf32, #tpu.memory_space<vmem>>, vector<1x128xf32>
    %mul3A_32 = vector.broadcast %get3A_31 : vector<1x128xf32> to vector<4x128xf32>
    %mul3A_33 = arith.mulf %mul3A_28, %mul3A_32 : vector<4x128xf32>
    %get3A_34 = arith.constant 0 : index
    %get3A_35 = arith.constant 0 : index
    %get3A_36 = arith.constant 0 : index
    %get3A_37 = arith.constant 0 : index
    %get3A_38 = vector.load %arg4[%get3A_34, %get3A_35, %get3A_36, %get3A_37] : memref<1x1x1x128xf32, #tpu.memory_space<vmem>>, vector<1x1x1x128xf32>
    %get3A_39 = vector.shape_cast %get3A_38 : vector<1x1x1x128xf32> to vector<1x128xf32>
    %get3A_40 = arith.constant 0 : index
    %get3A_41 = arith.constant 0 : index
    %get3A_42 = arith.constant 0 : index
    %get3A_43 = arith.constant 0 : index
    %get3A_44 = vector.load %arg5[%get3A_40, %get3A_41, %get3A_42, %get3A_43] : memref<1x1x1x128xf32, #tpu.memory_space<vmem>>, vector<1x1x1x128xf32>
    %get3A_45 = vector.shape_cast %get3A_44 : vector<1x1x1x128xf32> to vector<1x128xf32>
    %dot_general3A = arith.constant dense<0.000000e+00> : vector<4x1xf32>
    %dot_general3A_46 = tpu.matmul %mul3A_33, %get3A_39, %dot_general3A {dimension_numbers = #tpu.dot_dimension_numbers<[1], [1], [0], [0], [0, 0, 1, 0], [], []>, precision = #tpu.contract_precision<fp32>, transpose_lhs_hint = false} : vector<4x128xf32>, vector<1x128xf32>, vector<4x1xf32> -> vector<4x1xf32>
    %mul3A_47 = arith.mulf %get3A_39, %get3A_39 : vector<1x128xf32>
    %reduce_sum3A_48 = arith.constant dense<0.000000e+00> : vector<1xf32>
    %reduce_sum3A_49 = vector.multi_reduction <add>, %mul3A_47, %reduce_sum3A_48 [1] : vector<1x128xf32> to vector<1xf32>
    %broadcast_in_dim3A_50 = vector.shape_cast %reduce_sum3A_49 : vector<1xf32> to vector<1x1xf32>
    %get3A_51 = arith.constant 0 : index
    %get3A_52 = arith.constant 0 : index
    %get3A_53 = vector.load %arg12[%get3A_51, %get3A_52] : memref<2048x128xf32, #tpu.memory_space<vmem>>, vector<2048x128xf32>
    %get3A_54 = arith.constant 0 : index
    %get3A_55 = arith.constant 0 : index
    %get3A_56 = vector.load %arg13[%get3A_54, %get3A_55] : memref<2048x128xf32, #tpu.memory_space<vmem>>, vector<2048x128xf32>
    %get3A_57 = arith.constant 0 : index
    %get3A_58 = arith.constant 0 : index
    %get3A_59 = vector.load %arg8[%get3A_57, %get3A_58] : memref<32x2048xf32, #tpu.memory_space<vmem>>, vector<32x2048xf32>
    %get3A_60 = arith.constant 0 : index
    %get3A_61 = arith.constant 0 : index
    %get3A_62 = vector.load %arg9[%get3A_60, %get3A_61] : memref<4x2048xf32, #tpu.memory_space<vmem>>, vector<4x2048xf32>
    %get3A_63 = arith.constant 0 : index
    %get3A_64 = arith.constant 0 : index
    %get3A_65 = arith.constant 0 : index
    %get3A_66 = vector.load %arg10[%get3A_63, %get3A_64, %get3A_65] : memref<1x1x2048xf32, #tpu.memory_space<vmem>>, vector<1x1x2048xf32>
    %get3A_67 = vector.shape_cast %get3A_66 : vector<1x1x2048xf32> to vector<1x2048xf32>
    %lt3A = vector.broadcast %convert_element_type3A : f32 to vector<1x2048xf32>
    %lt3A_68 = arith.cmpf olt, %get3A_67, %lt3A : vector<1x2048xf32>
    %convert_element_type3A_69 = arith.extui %lt3A_68 : vector<1x2048xi1> to vector<1x2048xi32>
    %convert_element_type3A_70 = arith.sitofp %convert_element_type3A_69 : vector<1x2048xi32> to vector<1x2048xf32>
    %sub3A_71 = arith.constant 1.000000e+00 : f32
    %sub3A_72 = arith.subf %convert_element_type3A, %sub3A_71 : f32
    %eq3A = vector.broadcast %sub3A_72 : f32 to vector<1x2048xf32>
    %eq3A_73 = arith.cmpf oeq, %get3A_67, %eq3A : vector<1x2048xf32>
    %convert_element_type3A_74 = arith.extui %eq3A_73 : vector<1x2048xi1> to vector<1x2048xi32>
    %convert_element_type3A_75 = arith.sitofp %convert_element_type3A_74 : vector<1x2048xi32> to vector<1x2048xf32>
    %dot_general3A_76 = arith.constant dense<0.000000e+00> : vector<4x2048xf32>
    %dot_general3A_77 = tpu.matmul %mul3A_33, %get3A_53, %dot_general3A_76 {dimension_numbers = #tpu.dot_dimension_numbers<[1], [1], [0], [0], [0, 0, 1, 0], [], []>, precision = #tpu.contract_precision<fp32>, transpose_lhs_hint = false} : vector<4x128xf32>, vector<2048x128xf32>, vector<4x2048xf32> -> vector<4x2048xf32>
    %mul3A_78 = arith.mulf %dot_general3A_77, %get3A_62 : vector<4x2048xf32>
    %reduce_sum3A_79 = arith.constant dense<0.000000e+00> : vector<2048xf32>
    %reduce_sum3A_80 = vector.multi_reduction <add>, %mul3A_78, %reduce_sum3A_79 [0] : vector<4x2048xf32> to vector<2048xf32>
    %broadcast_in_dim3A_81 = vector.shape_cast %reduce_sum3A_80 : vector<2048xf32> to vector<1x2048xf32>
    %mul3A_82 = vector.broadcast %dot_general3A_46 : vector<4x1xf32> to vector<4x2048xf32>
    %mul3A_83 = arith.mulf %mul3A_82, %get3A_62 : vector<4x2048xf32>
    %reduce_sum3A_84 = arith.constant dense<0.000000e+00> : vector<2048xf32>
    %reduce_sum3A_85 = vector.multi_reduction <add>, %mul3A_83, %reduce_sum3A_84 [0] : vector<4x2048xf32> to vector<2048xf32>
    %broadcast_in_dim3A_86 = vector.shape_cast %reduce_sum3A_85 : vector<2048xf32> to vector<1x2048xf32>
    %sub3A_87 = arith.subf %broadcast_in_dim3A_86, %broadcast_in_dim3A_81 : vector<1x2048xf32>
    %mul3A_88 = arith.mulf %convert_element_type3A_75, %sub3A_87 : vector<1x2048xf32>
    %add3A_89 = arith.addf %broadcast_in_dim3A_81, %mul3A_88 : vector<1x2048xf32>
    %broadcast_in_dim3A_90 = arith.constant 1.000000e+00 : f32
    %broadcast_in_dim3A_91 = vector.broadcast %broadcast_in_dim3A_90 : f32 to vector<1x128xf32>
    %mul3A_92 = arith.mulf %get3A_53, %get3A_53 : vector<2048x128xf32>
    %dot_general3A_93 = arith.constant dense<0.000000e+00> : vector<1x2048xf32>
    %dot_general3A_94 = tpu.matmul %broadcast_in_dim3A_91, %mul3A_92, %dot_general3A_93 {dimension_numbers = #tpu.dot_dimension_numbers<[1], [1], [0], [0], [0, 0, 1, 0], [], []>, precision = #tpu.contract_precision<fp32>, transpose_lhs_hint = false} : vector<1x128xf32>, vector<2048x128xf32>, vector<1x2048xf32> -> vector<1x2048xf32>
    %sub3A_95 = vector.broadcast %broadcast_in_dim3A_50 : vector<1x1xf32> to vector<1x2048xf32>
    %sub3A_96 = arith.subf %sub3A_95, %dot_general3A_94 : vector<1x2048xf32>
    %mul3A_97 = arith.mulf %convert_element_type3A_75, %sub3A_96 : vector<1x2048xf32>
    %add3A_98 = arith.addf %dot_general3A_94, %mul3A_97 : vector<1x2048xf32>
    %mul3A_99 = arith.constant 7.812500e-03 : f32
    %mul3A_100 = vector.broadcast %mul3A_99 : f32 to vector<1x2048xf32>
    %mul3A_101 = arith.mulf %add3A_98, %mul3A_100 : vector<1x2048xf32>
    %add3A_102 = arith.constant 9.99999997E-7 : f32
    %add3A_103 = vector.broadcast %add3A_102 : f32 to vector<1x2048xf32>
    %add3A_104 = arith.addf %mul3A_101, %add3A_103 : vector<1x2048xf32>
    %rsqrt3A_105 = math.rsqrt %add3A_104 : vector<1x2048xf32>
    %mul3A_106 = arith.constant 5.000000e-01 : f32
    %mul3A_107 = vector.broadcast %mul3A_106 : f32 to vector<1x2048xf32>
    %mul3A_108 = arith.mulf %mul3A_107, %add3A_104 : vector<1x2048xf32>
    %mul3A_109 = arith.mulf %mul3A_108, %rsqrt3A_105 : vector<1x2048xf32>
    %mul3A_110 = arith.mulf %mul3A_109, %rsqrt3A_105 : vector<1x2048xf32>
    %sub3A_111 = arith.constant 1.500000e+00 : f32
    %sub3A_112 = vector.broadcast %sub3A_111 : f32 to vector<1x2048xf32>
    %sub3A_113 = arith.subf %sub3A_112, %mul3A_110 : vector<1x2048xf32>
    %mul3A_114 = arith.mulf %rsqrt3A_105, %sub3A_113 : vector<1x2048xf32>
    %mul3A_115 = arith.mulf %add3A_89, %mul3A_114 : vector<1x2048xf32>
    %mul3A_116 = arith.constant 0.0883883461 : f32
    %mul3A_117 = vector.broadcast %mul3A_116 : f32 to vector<1x2048xf32>
    %mul3A_118 = arith.mulf %mul3A_115, %mul3A_117 : vector<1x2048xf32>
    %exp3A = math.exp %mul3A_118 : vector<1x2048xf32>
    %mul3A_119 = arith.mulf %exp3A, %convert_element_type3A_70 : vector<1x2048xf32>
    %dot_general3A_120 = arith.constant dense<0.000000e+00> : vector<1x32xf32>
    %dot_general3A_121 = tpu.matmul %mul3A_119, %get3A_59, %dot_general3A_120 {dimension_numbers = #tpu.dot_dimension_numbers<[1], [1], [0], [0], [0, 0, 1, 0], [], []>, precision = #tpu.contract_precision<fp32>, transpose_lhs_hint = false} : vector<1x2048xf32>, vector<32x2048xf32>, vector<1x32xf32> -> vector<1x32xf32>
    %dot_general3A_122 = arith.constant dense<0.000000e+00> : vector<1x2048xf32>
    %dot_general3A_123 = tpu.matmul %dot_general3A_121, %get3A_59, %dot_general3A_122 {dimension_numbers = #tpu.dot_dimension_numbers<[1], [0], [0], [1], [0, 0, 1, 1], [], []>, precision = #tpu.contract_precision<fp32>, transpose_lhs_hint = false} : vector<1x32xf32>, vector<32x2048xf32>, vector<1x2048xf32> -> vector<1x2048xf32>
    %add3A_124 = arith.constant 1.000000e-30 : f32
    %add3A_125 = vector.broadcast %add3A_124 : f32 to vector<1x2048xf32>
    %add3A_126 = arith.addf %dot_general3A_123, %add3A_125 : vector<1x2048xf32>
    %div3A_127 = arith.divf %mul3A_119, %add3A_126 : vector<1x2048xf32>
    %transpose3A = tpu.transpose %convert_element_type3A_75, [1, 0] : vector<1x2048xf32> -> vector<2048x1xf32>
    %sub3A_128 = vector.broadcast %get3A_45 : vector<1x128xf32> to vector<2048x128xf32>
    %sub3A_129 = arith.subf %sub3A_128, %get3A_56 : vector<2048x128xf32>
    %mul3A_130 = vector.broadcast %transpose3A : vector<2048x1xf32> to vector<2048x128xf32>
    %mul3A_131 = arith.mulf %mul3A_130, %sub3A_129 : vector<2048x128xf32>
    %add3A_132 = arith.addf %get3A_56, %mul3A_131 : vector<2048x128xf32>
    %mul3A_133 = vector.broadcast %div3A_127 : vector<1x2048xf32> to vector<32x2048xf32>
    %mul3A_134 = arith.mulf %get3A_59, %mul3A_133 : vector<32x2048xf32>
    %dot_general3A_135 = arith.constant dense<0.000000e+00> : vector<32x128xf32>
    %dot_general3A_136 = tpu.matmul %mul3A_134, %add3A_132, %dot_general3A_135 {dimension_numbers = #tpu.dot_dimension_numbers<[1], [0], [0], [1], [0, 0, 1, 1], [], []>, transpose_lhs_hint = false} : vector<32x2048xf32>, vector<2048x128xf32>, vector<32x128xf32> -> vector<32x128xf32>
    %get3A_137 = arith.constant 0 : index
    %get3A_138 = arith.constant 0 : index
    %get3A_139 = arith.constant 0 : index
    %get3A_140 = arith.constant 0 : index
    %get3A_141 = vector.load %arg11[%get3A_137, %get3A_138, %get3A_139, %get3A_140] : memref<1x1x4x32xf32, #tpu.memory_space<vmem>>, vector<1x1x4x32xf32>
    %get3A_142 = vector.shape_cast %get3A_141 : vector<1x1x4x32xf32> to vector<4x32xf32>
    %dot_general3A_143 = arith.constant dense<0.000000e+00> : vector<4x128xf32>
    %dot_general3A_144 = tpu.matmul %get3A_142, %dot_general3A_136, %dot_general3A_143 {dimension_numbers = #tpu.dot_dimension_numbers<[1], [0], [0], [1], [0, 0, 1, 1], [], []>, precision = #tpu.contract_precision<fp32>, transpose_lhs_hint = false} : vector<4x32xf32>, vector<32x128xf32>, vector<4x128xf32> -> vector<4x128xf32>
    %get3A_145 = arith.constant 0 : index
    %get3A_146 = arith.constant 0 : index
    %get3A_147 = vector.load %arg14[%get3A_145, %get3A_146] : memref<128x128xf32, #tpu.memory_space<vmem>>, vector<128x128xf32>
    %get3A_148 = arith.constant 0 : index
    %get3A_149 = arith.constant 0 : index
    %get3A_150 = vector.load %arg15[%get3A_148, %get3A_149] : memref<128x128xf32, #tpu.memory_space<vmem>>, vector<128x128xf32>
    %iota3A = tpu.iota {dimensions = array<i32: 1>} : vector<1x128xi32>
    %sub3A_151 = arith.constant 128 : i32
    %sub3A_152 = arith.subi %add3A_1, %sub3A_151 : i32
    %max3A = arith.constant 0 : i32
    %max3A_153 = arith.maxsi %sub3A_152, %max3A : i32
    %add3A_154 = vector.broadcast %max3A_153 : i32 to vector<1x128xi32>
    %add3A_155 = arith.addi %iota3A, %add3A_154 : vector<1x128xi32>
    %lt3A_156 = vector.broadcast %add3A_1 : i32 to vector<1x128xi32>
    %lt3A_157 = arith.cmpi slt, %add3A_155, %lt3A_156 : vector<1x128xi32>
    %convert_element_type3A_158 = arith.extui %lt3A_157 : vector<1x128xi1> to vector<1x128xi32>
    %convert_element_type3A_159 = arith.sitofp %convert_element_type3A_158 : vector<1x128xi32> to vector<1x128xf32>
    %sub3A_160 = arith.constant 1 : i32
    %sub3A_161 = arith.subi %add3A_1, %sub3A_160 : i32
    %eq3A_162 = vector.broadcast %sub3A_161 : i32 to vector<1x128xi32>
    %eq3A_163 = arith.cmpi eq, %add3A_155, %eq3A_162 : vector<1x128xi32>
    %convert_element_type3A_164 = arith.extui %eq3A_163 : vector<1x128xi1> to vector<1x128xi32>
    %convert_element_type3A_165 = arith.sitofp %convert_element_type3A_164 : vector<1x128xi32> to vector<1x128xf32>
    %dot_general3A_166 = arith.constant dense<0.000000e+00> : vector<4x128xf32>
    %dot_general3A_167 = tpu.matmul %mul3A_33, %get3A_147, %dot_general3A_166 {dimension_numbers = #tpu.dot_dimension_numbers<[1], [1], [0], [0], [0, 0, 1, 0], [], []>, precision = #tpu.contract_precision<fp32>, transpose_lhs_hint = false} : vector<4x128xf32>, vector<128x128xf32>, vector<4x128xf32> -> vector<4x128xf32>
    %sub3A_168 = vector.broadcast %dot_general3A_46 : vector<4x1xf32> to vector<4x128xf32>
    %sub3A_169 = arith.subf %sub3A_168, %dot_general3A_167 : vector<4x128xf32>
    %mul3A_170 = vector.broadcast %convert_element_type3A_165 : vector<1x128xf32> to vector<4x128xf32>
    %mul3A_171 = arith.mulf %mul3A_170, %sub3A_169 : vector<4x128xf32>
    %add3A_172 = arith.addf %dot_general3A_167, %mul3A_171 : vector<4x128xf32>
    %mul3A_173 = arith.mulf %get3A_147, %get3A_147 : vector<128x128xf32>
    %dot_general3A_174 = arith.constant dense<0.000000e+00> : vector<1x128xf32>
    %dot_general3A_175 = tpu.matmul %broadcast_in_dim3A_91, %mul3A_173, %dot_general3A_174 {dimension_numbers = #tpu.dot_dimension_numbers<[1], [1], [0], [0], [0, 0, 1, 0], [], []>, precision = #tpu.contract_precision<fp32>, transpose_lhs_hint = false} : vector<1x128xf32>, vector<128x128xf32>, vector<1x128xf32> -> vector<1x128xf32>
    %sub3A_176 = vector.broadcast %broadcast_in_dim3A_50 : vector<1x1xf32> to vector<1x128xf32>
    %sub3A_177 = arith.subf %sub3A_176, %dot_general3A_175 : vector<1x128xf32>
    %mul3A_178 = arith.mulf %convert_element_type3A_165, %sub3A_177 : vector<1x128xf32>
    %add3A_179 = arith.addf %dot_general3A_175, %mul3A_178 : vector<1x128xf32>
    %mul3A_180 = arith.constant 7.812500e-03 : f32
    %mul3A_181 = vector.broadcast %mul3A_180 : f32 to vector<1x128xf32>
    %mul3A_182 = arith.mulf %add3A_179, %mul3A_181 : vector<1x128xf32>
    %add3A_183 = arith.constant 9.99999997E-7 : f32
    %add3A_184 = vector.broadcast %add3A_183 : f32 to vector<1x128xf32>
    %add3A_185 = arith.addf %mul3A_182, %add3A_184 : vector<1x128xf32>
    %rsqrt3A_186 = math.rsqrt %add3A_185 : vector<1x128xf32>
    %mul3A_187 = arith.constant 5.000000e-01 : f32
    %mul3A_188 = vector.broadcast %mul3A_187 : f32 to vector<1x128xf32>
    %mul3A_189 = arith.mulf %mul3A_188, %add3A_185 : vector<1x128xf32>
    %mul3A_190 = arith.mulf %mul3A_189, %rsqrt3A_186 : vector<1x128xf32>
    %mul3A_191 = arith.mulf %mul3A_190, %rsqrt3A_186 : vector<1x128xf32>
    %sub3A_192 = arith.constant 1.500000e+00 : f32
    %sub3A_193 = vector.broadcast %sub3A_192 : f32 to vector<1x128xf32>
    %sub3A_194 = arith.subf %sub3A_193, %mul3A_191 : vector<1x128xf32>
    %mul3A_195 = arith.mulf %rsqrt3A_186, %sub3A_194 : vector<1x128xf32>
    %mul3A_196 = vector.broadcast %mul3A_195 : vector<1x128xf32> to vector<4x128xf32>
    %mul3A_197 = arith.mulf %add3A_172, %mul3A_196 : vector<4x128xf32>
    %mul3A_198 = arith.constant 0.0883883461 : f32
    %mul3A_199 = vector.broadcast %mul3A_198 : f32 to vector<4x128xf32>
    %mul3A_200 = arith.mulf %mul3A_197, %mul3A_199 : vector<4x128xf32>
    %exp3A_201 = math.exp %mul3A_200 : vector<4x128xf32>
    %mul3A_202 = vector.broadcast %convert_element_type3A_159 : vector<1x128xf32> to vector<4x128xf32>
    %mul3A_203 = arith.mulf %exp3A_201, %mul3A_202 : vector<4x128xf32>
    %reduce_sum3A_204 = arith.constant dense<0.000000e+00> : vector<4xf32>
    %reduce_sum3A_205 = vector.multi_reduction <add>, %mul3A_203, %reduce_sum3A_204 [1] : vector<4x128xf32> to vector<4xf32>
    %broadcast_in_dim3A_206 = vector.shape_cast %reduce_sum3A_205 : vector<4xf32> to vector<4x1xf32>
    %div3A_207 = vector.broadcast %broadcast_in_dim3A_206 : vector<4x1xf32> to vector<4x128xf32>
    %div3A_208 = arith.divf %mul3A_203, %div3A_207 : vector<4x128xf32>
    %transpose3A_209 = tpu.transpose %convert_element_type3A_165, [1, 0] : vector<1x128xf32> -> vector<128x1xf32>
    %sub3A_210 = vector.broadcast %get3A_45 : vector<1x128xf32> to vector<128x128xf32>
    %sub3A_211 = arith.subf %sub3A_210, %get3A_150 : vector<128x128xf32>
    %mul3A_212 = vector.broadcast %transpose3A_209 : vector<128x1xf32> to vector<128x128xf32>
    %mul3A_213 = arith.mulf %mul3A_212, %sub3A_211 : vector<128x128xf32>
    %add3A_214 = arith.addf %get3A_150, %mul3A_213 : vector<128x128xf32>
    %dot_general3A_215 = arith.constant dense<0.000000e+00> : vector<4x128xf32>
    %dot_general3A_216 = tpu.matmul %div3A_208, %add3A_214, %dot_general3A_215 {dimension_numbers = #tpu.dot_dimension_numbers<[1], [0], [0], [1], [0, 0, 1, 1], [], []>, precision = #tpu.contract_precision<fp32>, transpose_lhs_hint = false} : vector<4x128xf32>, vector<128x128xf32>, vector<4x128xf32> -> vector<4x128xf32>
    %add3A_217 = arith.addf %dot_general3A_144, %dot_general3A_216 : vector<4x128xf32>
    %swap3A = arith.constant 0 : index
    %swap3A_218 = arith.constant 0 : index
    %swap3A_219 = arith.constant 0 : index
    %swap3A_220 = arith.constant 0 : index
    %swap3A_221 = vector.load %arg16[%swap3A, %swap3A_218, %swap3A_219, %swap3A_220] : memref<1x1x4x128xf32, #tpu.memory_space<vmem>>, vector<1x1x4x128xf32>
    %swap3A_222 = vector.shape_cast %swap3A_221 : vector<1x1x4x128xf32> to vector<4x128xf32>
    %swap3A_223 = vector.shape_cast %add3A_217 : vector<4x128xf32> to vector<1x1x4x128xf32>
    tpu.vector_store %arg16[%swap3A, %swap3A_218, %swap3A_219, %swap3A_220], %swap3A_223 {strides = array<i32>} : memref<1x1x4x128xf32, #tpu.memory_space<vmem>>, vector<1x1x4x128xf32>,
    return
  }
  func.func @transform_0(%arg0: i32, %arg1: i32) -> i32 {
    %c0_i32 = arith.constant 0 : i32
    %c0_i32_0 = arith.constant 0 : i32
    return %c0_i32 : i32
  }
  func.func @transform_1(%arg0: i32, %arg1: i32) -> (i32, i32, i32, i32) {
    %c0_i32 = arith.constant 0 : i32
    %c0_i32_0 = arith.constant 0 : i32
    %c0_i32_1 = arith.constant 0 : i32
    return %arg0, %arg1, %c0_i32, %c0_i32_0 : i32, i32, i32, i32
  }
  func.func @transform_2(%arg0: i32, %arg1: i32) -> (i32, i32, i32, i32) {
    %c0_i32 = arith.constant 0 : i32
    %c0_i32_0 = arith.constant 0 : i32
    %c0_i32_1 = arith.constant 0 : i32
    return %arg0, %arg1, %c0_i32, %c0_i32_0 : i32, i32, i32, i32
  }
  func.func @transform_3(%arg0: i32, %arg1: i32) -> (i32, i32, i32, i32) {
    %c0_i32 = arith.constant 0 : i32
    %c0_i32_0 = arith.constant 0 : i32
    %c0_i32_1 = arith.constant 0 : i32
    return %arg0, %arg1, %c0_i32, %c0_i32_0 : i32, i32, i32, i32
  }
  func.func @transform_4(%arg0: i32, %arg1: i32) -> (i32, i32) {
    %c0_i32 = arith.constant 0 : i32
    %c0_i32_0 = arith.constant 0 : i32
    %c0_i32_1 = arith.constant 0 : i32
    return %c0_i32, %c0_i32_0 : i32, i32
  }
  func.func @transform_5(%arg0: i32, %arg1: i32) -> (i32, i32) {
    %c0_i32 = arith.constant 0 : i32
    %c0_i32_0 = arith.constant 0 : i32
    %c0_i32_1 = arith.constant 0 : i32
    return %c0_i32, %c0_i32_0 : i32, i32
  }
  func.func @transform_6(%arg0: i32, %arg1: i32) -> (i32, i32) {
    %c0_i32 = arith.constant 0 : i32
    %c0_i32_0 = arith.constant 0 : i32
    %c0_i32_1 = arith.constant 0 : i32
    return %c0_i32, %c0_i32_0 : i32, i32
  }
  func.func @transform_7(%arg0: i32, %arg1: i32) -> (i32, i32) {
    %c0_i32 = arith.constant 0 : i32
    %c0_i32_0 = arith.constant 0 : i32
    %c0_i32_1 = arith.constant 0 : i32
    return %c0_i32, %c0_i32_0 : i32, i32
  }
  func.func @transform_8(%arg0: i32, %arg1: i32) -> (i32, i32, i32) {
    %mul3A = arith.constant 4 : i32
    %mul3A_0 = arith.muli %arg0, %mul3A : i32
    %add3A = arith.addi %mul3A_0, %arg1 : i32
    %c0_i32 = arith.constant 0 : i32
    %c0_i32_1 = arith.constant 0 : i32
    %c0_i32_2 = arith.constant 0 : i32
    return %add3A, %c0_i32, %c0_i32_1 : i32, i32, i32
  }
  func.func @transform_9(%arg0: i32, %arg1: i32) -> (i32, i32, i32, i32) {
    %c0_i32 = arith.constant 0 : i32
    %c0_i32_0 = arith.constant 0 : i32
    %c0_i32_1 = arith.constant 0 : i32
    return %arg0, %arg1, %c0_i32, %c0_i32_0 : i32, i32, i32, i32
  }
  func.func @transform_10(%arg0: i32, %arg1: i32) -> (i32, i32) {
    %mul3A = arith.constant 4 : i32
    %mul3A_0 = arith.muli %arg0, %mul3A : i32
    %add3A = arith.addi %mul3A_0, %arg1 : i32
    %c0_i32 = arith.constant 0 : i32
    %c0_i32_1 = arith.constant 0 : i32
    return %add3A, %c0_i32 : i32, i32
  }
  func.func @transform_11(%arg0: i32, %arg1: i32) -> (i32, i32) {
    %mul3A = arith.constant 4 : i32
    %mul3A_0 = arith.muli %arg0, %mul3A : i32
    %add3A = arith.addi %mul3A_0, %arg1 : i32
    %c0_i32 = arith.constant 0 : i32
    %c0_i32_1 = arith.constant 0 : i32
    return %add3A, %c0_i32 : i32, i32
  }
  func.func @transform_12(%arg0: i32, %arg1: i32) -> (i32, i32) {
    %mul3A = arith.constant 4 : i32
    %mul3A_0 = arith.muli %arg0, %mul3A : i32
    %add3A = arith.constant 512 : i32
    %add3A_1 = arith.addi %add3A, %mul3A_0 : i32
    %add3A_2 = arith.addi %add3A_1, %arg1 : i32
    %c0_i32 = arith.constant 0 : i32
    %c0_i32_3 = arith.constant 0 : i32
    return %add3A_2, %c0_i32 : i32, i32
  }
  func.func @transform_13(%arg0: i32, %arg1: i32) -> (i32, i32) {
    %mul3A = arith.constant 4 : i32
    %mul3A_0 = arith.muli %arg0, %mul3A : i32
    %add3A = arith.constant 512 : i32
    %add3A_1 = arith.addi %add3A, %mul3A_0 : i32
    %add3A_2 = arith.addi %add3A_1, %arg1 : i32
    %c0_i32 = arith.constant 0 : i32
    %c0_i32_3 = arith.constant 0 : i32
    return %add3A_2, %c0_i32 : i32, i32
  }
  func.func @transform_14(%arg0: i32, %arg1: i32) -> (i32, i32, i32, i32) {
    %c0_i32 = arith.constant 0 : i32
    %c0_i32_0 = arith.constant 0 : i32
    %c0_i32_1 = arith.constant 0 : i32
    return %arg0, %arg1, %c0_i32, %c0_i32_0 : i32, i32, i32, i32
  }
}

module attributes {stable_mosaic.version = 14 : i64} {
  func.func @_out_body(%arg0: memref<32x2048xf32, #tpu.memory_space<vmem>>, %arg1: memref<2048x2048xf32, #tpu.memory_space<vmem>>, %arg2: memref<1x2048xf32, #tpu.memory_space<vmem>>, %arg3: memref<32x2048xf32, #tpu.memory_space<vmem>>) attributes {dimension_semantics = [], scalar_prefetch = 0 : i64, scratch_operands = 0 : i64, tpu.core_type = #tpu.core_type<tc>} {
    %get3A = arith.constant 0 : index
    %get3A_0 = arith.constant 0 : index
    %get3A_1 = vector.load %arg0[%get3A, %get3A_0] : memref<32x2048xf32, #tpu.memory_space<vmem>>, vector<32x2048xf32>
    %get3A_2 = arith.constant 0 : index
    %get3A_3 = arith.constant 0 : index
    %get3A_4 = vector.load %arg1[%get3A_2, %get3A_3] : memref<2048x2048xf32, #tpu.memory_space<vmem>>, vector<2048x2048xf32>
    %dot_general3A = arith.constant dense<0.000000e+00> : vector<32x2048xf32>
    %dot_general3A_5 = tpu.matmul %get3A_1, %get3A_4, %dot_general3A {dimension_numbers = #tpu.dot_dimension_numbers<[1], [1], [0], [0], [0, 0, 1, 0], [], []>, precision = #tpu.contract_precision<fp32>, transpose_lhs_hint = false} : vector<32x2048xf32>, vector<2048x2048xf32>, vector<32x2048xf32> -> vector<32x2048xf32>
    %get3A_6 = arith.constant 0 : index
    %get3A_7 = arith.constant 0 : index
    %get3A_8 = vector.load %arg2[%get3A_6, %get3A_7] : memref<1x2048xf32, #tpu.memory_space<vmem>>, vector<1x2048xf32>
    %add3A = vector.broadcast %get3A_8 : vector<1x2048xf32> to vector<32x2048xf32>
    %add3A_9 = arith.addf %dot_general3A_5, %add3A : vector<32x2048xf32>
    %swap3A = arith.constant 0 : index
    %swap3A_10 = arith.constant 0 : index
    %swap3A_11 = vector.load %arg3[%swap3A, %swap3A_10] : memref<32x2048xf32, #tpu.memory_space<vmem>>, vector<32x2048xf32>
    tpu.vector_store %arg3[%swap3A, %swap3A_10], %add3A_9 {strides = array<i32>} : memref<32x2048xf32, #tpu.memory_space<vmem>>, vector<32x2048xf32>,
    return
  }
}

</mosaic_0001>

<sc_bundles>
// kernel: kernel.12.cloned.1.call-start
scs
__scs_entry_jumppad:
0x0: {  	(pc) =	sbr.rel $0x88, $3  }
0x1: {  	(tag) =	ssettag $0x0;
	lr =	simm.s32 $0x1  }
0x2: {  	[smem:$0x3F94] =	sst lr;
	_ =	strace $0xD0000000  }
0x3: {  	_ = 	snop  }
0x4: {  	_ = 	snop  }
0x5: {  	_ = 	snop  }
0x6: {  	_ = 	snop  }
0x7: {  	_ = 	snop  }
__scs_overlays_trampoline_lowered:
0x8: {  	[smem:$0x3FA3] =	sst s0  }
0x9: {  	[smem:$0x3FA4] =	sst s1  }
0xa: {  	[smem:$0x3FA5] =	sst s2  }
0xb: {  	[smem:$0x3FA6] =	sst s3  }
0xc: {  	[smem:$0x3FA7] =	sst s4  }
0xd: {  	[smem:$0x3FA8] =	sst s5  }
0xe: {  	[smem:$0x3FA9] =	sst s6  }
0xf: {  	[smem:$0x3FAA] =	sst s7  }
0x10: {  	[smem:$0x3FAB] =	sst s8  }
0x11: {  	[smem:$0x3FAC] =	sst s9;
	s0 =	simm.s32 @!p0 $0x0  }
0x12: {  	s1 =	sld [smem:$0x3F92];
	s0 =	simm.s32 @p0 $0x1  }
0x13: {  	[smem:$0x3FAD] =	sst s0;
	s0 =	simm.s32 @!p1 $0x0  }
0x14: {  	s2 =	sld [smem:$0x3F91];
	s0 =	simm.s32 @p1 $0x1  }
0x15: {  	[smem:$0x3FAE] =	sst s0;
	s0 =	simm.s32 @!p2 $0x0  }
0x16: {  	s3 =	sld [smem:$0x3FDB];
	s0 =	simm.s32 @p2 $0x1  }
0x17: {  	s4 =	simm.s32 $0x1BF5;
	[smem:$0x3FB0] =	sst s0  }
0x18: {  	s0 =	sld [smem:$0x3F93];
	_ =	swait.ge [sflag:s4], $0x0  }
0x19: {  	s7 =	sld [smem:$0x3F94]  }
0x1a: {  	s8 =	sadd.s32 $0xFFFFE003, lr  }
0x1b: {  	s9 =	sadd.s32 $0xFFFFFEF7, lr;
	s5 =	simm.s32 $0xFFFFFFFF;
	p2 =	slt.u32 s8, $0xFFFFF086  }
0x1c: {  	p1 =	slt.u32 s9, $0xF7A;
	s5 =	simm.s32 @!p2 $0x0  }
0x1d: {  	s5 =	simm.s32 @p1 $0x1;
	p0 =	seq.s32 s7, s2  }
0x1e: {  	s7 =	smul.u32 @!p0 $0xF7A, s2;
	p2 =	seq.s32 @!p0 s5, $0x0  }
0x1f: {  	s9 =	smul.u32 $0xF7A, s1;
	s8 =	simm.s32 @!p0 $0x1BF5;
	p2 =	por !p2, p0  }
0x20: {  	[sflag:s8] =	ssyncset.s32 @!p0 $0xFFFFF086;
	s6 =	sadd.s32 @!p0 s3, s7;
	s7 =	simm.s32 @!p0 $0x108  }
0x21: {  	s3 =	sadd.s32 s3, s9;
	s6 =	sadd.s32 @!p0 $0x88, s6;
	s7 =	simm.s32 @p2 $0x1082  }
0x22: {  	[simem:s7], [sflag:s8] =	dma.local @!p0 [hbm:s6], $0xF7A  }
0x23: {  	s9 =	sor.u32 $0xD0000000, s2;
	s6 =	simm.s32 $0x108;
	_ =	swait.ge @!p0 [sflag:s8], $0x0  }
0x24: {  	s3 =	sadd.s32 $0x88, s3;
	s6 =	simm.s32 @!p1 $0x1082;
	[sflag:s4] =	ssyncset.s32 $0xFFFFF086  }
0x25: {  	[simem:s6], [sflag:s4] =	dma.local [hbm:s3], $0xF7A  }
0x26: {  	[smem:$0x3F94] =	sst s1;
	(tag) =	ssettag s2;
	_ =	strace s9  }
0x27: {  	s1 =	sld [smem:$0x3FA4]  }
0x28: {  	s2 =	sld [smem:$0x3FA5]  }
0x29: {  	s4 =	sld [smem:$0x3FA7]  }
0x2a: {  	p0 =	seq.s32 s5, $0x0;
	s5 =	sld [smem:$0x3FA8]  }
0x2b: {  	s6 =	sld [smem:$0x3FA9]  }
0x2c: {  	s7 =	sld [smem:$0x3FAA]  }
0x2d: {  	s3 =	simm.s32 $0x108;
	s8 =	sld [smem:$0x3FAB]  }
0x2e: {  	s3 =	simm.s32 @!p0 $0x1082;
	s9 =	sld [smem:$0x3FAC]  }
0x2f: {  	lr =	sadd.s32 s0, s3;
	s0 =	sld [smem:$0x3FA3]  }
0x30: {  	s3 =	sld [smem:$0x3FA6]  }
0x31: {  	[smem:$0x3FAF] =	sst s10  }
0x32: {  	s10 =	sld [smem:$0x3FAD];
	_ =	sdelay $0x3  }
0x33: {  	p0 =	seq.s32 s10, $0x1;
	s10 =	sld [smem:$0x3FAF];
	_ =	sdelay $0x3  }
0x34: {  	[smem:$0x3FAF] =	sst s10  }
0x35: {  	s10 =	sld [smem:$0x3FAE];
	_ =	sdelay $0x3  }
0x36: {  	p1 =	seq.s32 s10, $0x1;
	s10 =	sld [smem:$0x3FAF];
	_ =	sdelay $0x3  }
0x37: {  	[smem:$0x3FAF] =	sst s10  }
0x38: {  	s10 =	sld [smem:$0x3FB0]  }
0x39: {  	_ = 	snop;
	(pc) =	sbr.ind lr, $3  }
0x3a: {  	_ = 	snop  }
0x3b: {  	_ = 	snop  }
0x3c: {  	p2 =	seq.s32 s10, $0x1;
	s10 =	sld [smem:$0x3FAF]  }
0x3d: {  	_ =	shalt  }
0x3e: {  	_ =	shalt  }
0x3f: {  	_ =	shalt  }
0x40: {  	_ =	shalt  }
0x41: {  	_ =	shalt  }
0x42: {  	_ =	shalt  }
0x43: {  	_ =	shalt  }
0x44: {  	_ =	shalt  }
0x45: {  	_ =	shalt  }
0x46: {  	_ =	shalt  }
0x47: {  	_ =	shalt  }
0x48: {  	_ =	shalt  }
0x49: {  	_ =	shalt  }
0x4a: {  	_ =	shalt  }
0x4b: {  	_ =	shalt  }
0x4c: {  	_ =	shalt  }
0x4d: {  	_ =	shalt  }
0x4e: {  	_ =	shalt  }
0x4f: {  	_ =	shalt  }
0x50: {  	_ =	shalt  }
0x51: {  	_ =	shalt  }
0x52: {  	_ =	shalt  }
0x53: {  	_ =	shalt  }
0x54: {  	_ =	shalt  }
0x55: {  	_ =	shalt  }
0x56: {  	_ =	shalt  }
0x57: {  	_ =	shalt  }
0x58: {  	_ =	shalt  }
0x59: {  	_ =	shalt  }
0x5a: {  	_ =	shalt  }
0x5b: {  	_ =	shalt  }
0x5c: {  	_ =	shalt  }
0x5d: {  	_ =	shalt  }
0x5e: {  	_ =	shalt  }
0x5f: {  	_ =	shalt  }
0x60: {  	_ =	shalt  }
0x61: {  	_ =	shalt  }
0x62: {  	_ =	shalt  }
0x63: {  	_ =	shalt  }
0x64: {  	_ =	shalt  }
0x65: {  	_ =	shalt  }
0x66: {  	_ =	shalt  }
0x67: {  	_ =	shalt  }
0x68: {  	_ =	shalt  }
0x69: {  	_ =	shalt  }
0x6a: {  	_ =	shalt  }
0x6b: {  	_ =	shalt  }
0x6c: {  	_ =	shalt  }
0x6d: {  	_ =	shalt  }
0x6e: {  	_ =	shalt  }
0x6f: {  	_ =	shalt  }
0x70: {  	_ =	shalt  }
0x71: {  	_ =	shalt  }
0x72: {  	_ =	shalt  }
0x73: {  	_ =	shalt  }
0x74: {  	_ =	shalt  }
0x75: {  	_ =	shalt  }
0x76: {  	_ =	shalt  }
0x77: {  	_ =	shalt  }
0x78: {  	_ =	shalt  }
0x79: {  	_ =	shalt  }
0x7a: {  	_ =	shalt  }
0x7b: {  	_ =	shalt  }
0x7c: {  	_ =	shalt  }
0x7d: {  	_ =	shalt  }
0x7e: {  	_ =	shalt  }
0x7f: {  	_ =	shalt  }
0x80: {  	_ =	shalt  }
0x81: {  	_ =	shalt  }
0x82: {  	_ =	shalt  }
0x83: {  	_ =	shalt  }
0x84: {  	_ =	shalt  }
0x85: {  	_ =	shalt  }
0x86: {  	_ =	shalt  }
0x87: {  	_ =	shalt  }
.Lfunc_end0:
.L_simem_size_0:
called_computation_lowered:
.L_overlay_start_0:
0x88: {  	s2 =	sld [smem:$0x3FD9]  }
0x89: {  	s3 =	sld [smem:$0x3FFE];
	_ =	sdelay $0x1  }
0x8a: {  	s1 =	srdreg.scid  }
0x8b: {  	s0 =	sand.u32 $0x1, s1  }
0x8c: {  	s17 =	sshll.u32 s0, $0xA;
	s2 =	sadd.s32 s3, s2  }
0x8d: {  	s2 =	sadd.s32 s2, s17  }
0x8e: {  	[smem:$0x3FBB] =	sst s2  }
0x8f: {  	_ = 	snop  }
0x90: {  	s18 =	sld [smem:$0x3FC8]  }
0x91: {  	s4 =	sld [smem:$0x3FC7];
	(tm) =	ssettm $0x1  }
0x92: {  	s19 =	sld [smem:$0x3FFB];
	_ =	sdelay $0x3  }
0x93: {  	_ =	strace s19  }
0x94: {  	s2 =	sld [smem:$0x3FFC];
	_ =	sdelay $0x3  }
0x95: {  	_ =	strace s2  }
0x96: {  	s2 =	sld [smem:$0x3FFD];
	_ =	sdelay $0x3  }
0x97: {  	_ =	strace s2  }
0x98: {  	_ =	strace $0x8FFFFFFF  }
0x99: {  	s20 =	sld [smem:$0x3FDB];
	_ =	sdelay $0x1  }
0x9a: {  	s5 =	simm.s32 $_scs_section_size  }
0x9b: {  	s6 =	simm.s32 $_size__tile_overlayer_lowered;
	s7 =	simm.s32 $_tile_overlayer_lowered  }
0x9c: {  	s8 =	simm.s32 $0x1BFF;
	s21 =	sshll.u32 s7, $0x1;
	s5 =	sadd.s32 s5, s20  }
0x9d: {  	s22 =	simm.s32 $0x0;
	s6 =	sshll.u32 s6, $0x1;
	s7 =	sadd.s32 s21, s5  }
0x9e: {  	[timem:s22], [sflag:s8] =	dma.local [hbm:s7], s6  }
0x9f: {  	_ =	swait.ge [sflag:s8], s6  }
0xa0: {  	s6 =	ssub.s32 $0x0, s6;
	[sflag:s8] =	ssyncset.done $0x0  }
0xa1: {  	[sflag:s8] =	ssyncadd.s32 s6;
	_ =	sdelay $0x1  }
0xa2: {  	s23 =	simm.s32 $0x1B8B  }
0xa3: {  	_ =	swait.ge [sflag:s23], $0x1  }
0xa4: {  	[sflag:s23] =	ssyncset.done $0x0  }
0xa5: {  	[sflag:s23] =	ssyncadd.s32 $0xFFFFFFFF  }
0xa6: {  	s6 =	sld [smem:$0x0]  }
0xa7: {  	s7 =	sand.u32 $0xFFFFFFFE, s1  }
0xa8: {  	p0 =	sne.s32 s1, s7  }
0xa9: {  	s7 =	sshll.u32 @p0 s7, $0xE  }
0xaa: {  	s7 =	sadd.s32 @p0 $0x11B8D, s7;
	s8 =	sshll.u32 @p0 s6, $0x11  }
0xab: {  	s7 =	sor.u32 @p0 s8, s7  }
0xac: {  	[sflag:s7] =	ssyncadd.remote.s32 @p0 $0x1;
	_ =	sdelay $0x1  }
0xad: {  	s7 =	simm.s32 @p0 $0x1B8D  }
0xae: {  	_ =	swait.eq @p0 [sflag:s7], $0x1  }
0xaf: {  	[sflag:s7] =	ssyncadd.s32 @p0 $0xFFFFFFFF  }
0xb0: {  	s8 =	sshll.u32 @!p0 s1, $0xE  }
0xb1: {  	s8 =	sor.u32 @!p0 $0x4000, s8;
	s7 =	simm.s32 @!p0 $0x1B8D  }
0xb2: {  	s6 =	sshll.u32 @!p0 s6, $0x11;
	s8 =	sadd.s32 @!p0 $0x11B8D, s8;
	_ =	swait.eq @!p0 [sflag:s7], $0x1  }
0xb3: {  	s6 =	sor.u32 @!p0 s6, s8;
	[sflag:s7] =	ssyncadd.s32 @!p0 $0xFFFFFFFF  }
0xb4: {  	s25 =	simm.s32 $0x1B8E;
	s24 =	sld [smem:$0x3FFE];
	[sflag:s6] =	ssyncadd.remote.s32 @!p0 $0x1  }
0xb5: {  	s26 =	simm.s32 $execute0_lowered;
	[smem:$0x3FD2] =	sst s25  }
0xb6: {  	s7 =	sshll.u32 s26, $0x1;
	_ =	strace $0x8000004F;
	[dreg:$0x1] =	wrdreg $0xFFFFFFFF  }
0xb7: {  	s28 =	simm.s32 $_size_execute0_lowered;
	s5 =	sadd.s32 s5, s7;
	[dreg:$0x0] =	wrdreg $0x0  }
0xb8: {  	s7 =	sshll.u32 s28, $0x1;
	[dreg:$0x2] =	wrdreg s5  }
0xb9: {  	[dreg:$0x3] =	wrdreg s7  }
0xba: {  	[dreg:$0x4] =	wrdreg $0xC0  }
0xbb: {  	_ =	task [dreg:s22], $0x5FFFF  }
0xbc: {  	[dreg:$0x1] =	wrdreg $0xFFFFFFFF  }
0xbd: {  	[dreg:$0x0] =	wrdreg $0x60  }
0xbe: {  	[dreg:$0x2] =	wrdreg s18  }
0xbf: {  	[dreg:$0x3] =	wrdreg s4  }
0xc0: {  	[dreg:$0x4] =	wrdreg s24  }
0xc1: {  	[dreg:$0x5] =	wrdreg $0x9  }
0xc2: {  	_ =	task.clear_ibuf [dreg:s22], $0x6FFFF;
	_ =	strace $0x9000004F  }
0xc3: {  	s29 =	simm.s32 $0x9;
	_ =	strace $0x80000051  }
0xc4: {  	_ =	swait.ge [sflag:s29], $0x1  }
0xc5: {  	[sflag:s29] =	ssyncadd.s32 $0xFFFFFFFF  }
0xc6: {  	_ =	strace $0x90000051  }
0xc7: {  	_ =	sfence  }
0xc8: {  	s30 =	sld [smem:$0x0];
	_ =	sdelay $0x2  }
0xc9: {  	s31 =	sshll.u32 s1, $0xD;
	s1 =	sshrl.u32 s1, $0x2  }
0xca: {  	s4 =	sand.u32 $0x4000, s31;
	s1 =	sadd.s32 s1, s30  }
0xcb: {  	s0 =	sor.u32 s4, s0;
	s1 =	sshll.u32 s1, $0x11  }
0xcc: {  	s0 =	sor.u32 s1, s0  }
0xcd: {  	s0 =	sadd.s32 $0x8F2B, s0  }
0xce: {  	[sflag:s0] =	ssyncadd.remote.s32 $0x1  }
0xcf: {  	_ =	sfence.sel $0xFFFF  }
0xd0: {  	[dreg:$0x0] =	wrdreg $0xFFFFFFFF;
	(pc) =	sbr.abs _section_cstart, $3  }
0xd1: {  	[dreg:$0x1] =	wrdreg $0xFFFFFFFF  }
0xd2: {  	_ =	task.clear_ibuf [dreg:s22], $0x2FFFF;
	_ =	strace $0x9FFFFFFF  }
0xd3: {  	(tm) =	ssettm $0x7FFFFFFF  }
tec
execute0_lowered:
.L_overlay_start_1:
0x0: {  	(tag) =	ssettag $0x1  }
0x1: {  	s1 =	rddreg [dreg:$0x0]  }
0x2: {  	s3 =	rddreg [dreg:$0x1];
	s2 =	srdreg.scid  }
0x3: {  	s0 =	stileid.u32;
	s5 =	rddreg [dreg:$0x2]  }
0x4: {  	s4 =	simm.s32 $0x0;
	s10 =	simm.s32 $0x40;
	s11 =	simm.s32 $0x880  }
0x5: {  	s12 =	simm.s32 $0x2880;
	s13 =	simm.s32 $0x4880;
	s14 =	simm.s32 $0x6880  }
0x6: {  	s15 =	simm.s32 $0x1;
	s16 =	simm.s32 $0x2;
	s17 =	simm.s32 $0x3  }
0x7: {  	s18 =	simm.s32 $0x4;
	s19 =	simm.s32 $0x5;
	s20 =	simm.s32 $0x6  }
0x8: {  	s21 =	simm.s32 $0x7;
	s6 =	sand.u32 $0x1, s2;
	s7 =	sshll.u32 s0, $0x1  }
0x9: {  	s2 =	rddreg [dreg:$0x3];
	s8 =	smul.u32 $0x11000, s0;
	s7 =	sor.u32 s6, s7  }
0xa: {  	s22 =	simm.s32 $0x8;
	[smem:$0x7FF] =	sst s4;
	s7 =	smul.u32 $0x880, s7  }
0xb: {  	_ =	strace $0x80000050;
	s9 =	ssub.s32 $0x2, s6;
	s6 =	smul.u32 $0x8800, s6  }
0xc: {  	s8 =	sadd.s32 s8, s5;
	s31 =	sshrl.u32 s9, $0x1;
	s7 =	sshrl.u32 s7, $0x3  }
0xd: {  	s9 =	ssub.s32 s9, s31;
	s8 =	sadd.s32 s6, s8;
	s7 =	sadd.s32 s7, s5  }
0xe: {  	s6 =	smax.u32 s9, $0x1;
	s9 =	simm.s32 $0x9;
	s5 =	sadd.s32 $0x37800, s7  }
0xf: {  	s23 =	simm.s32 $0x0;
	s7 =	sadd.s32 $0x6A1600, s8;
	s8 =	sadd.s32 $0x7B1600, s8  }
.LBB2_1:
0x10: {  	[tilespmem:s4], [sflag:$0x9] =	stream.linear.gather [hbm4b:s5+s4], $0x880, $0x38;
	[tilespmem:$0x8880] =	vst v63  }
0x11: {  	_ =	swait.ge [sflag:s9], $0x880  }
0x12: {  	[sflag:s9] =	ssyncset.done $0x0  }
0x13: {  	[sflag:s9] =	ssyncadd.s32 $0xFFFFF780  }
0x14: {  	[tilespmem:s11], [sflag:$0x1] =	stream.indirect.gather [hbm4b:s1+s10], $0x80, s4, s10, $0xb8;
	[tilespmem:$0x8880] =	vst v63  }
0x15: {  	_ = 	snop  }
0x16: {  	[tilespmem:s12], [sflag:$0x2] =	stream.indirect.gather [hbm4b:s3+s10], $0x80, s4, s10, $0xb8;
	[tilespmem:$0x8880] =	vst v63  }
0x17: {  	s24 =	simm.s32 $0x40  }
0x18: {  	[tilespmem:s13], [sflag:$0x3] =	stream.indirect.gather [hbm4b:s1+s10], $0x80, s24, s10, $0xb8;
	[tilespmem:$0x8880] =	vst v63  }
0x19: {  	_ = 	snop  }
0x1a: {  	[tilespmem:s14], [sflag:$0x4] =	stream.indirect.gather [hbm4b:s3+s10], $0x80, s24, s10, $0xb8;
	[tilespmem:$0x8880] =	vst v63  }
0x1b: {  	_ =	swait.ge [sflag:s15], $0x2000  }
0x1c: {  	[sflag:s15] =	ssyncset.done $0x0  }
0x1d: {  	[sflag:s15] =	ssyncadd.s32 $0xFFFFE000  }
0x1e: {  	_ =	swait.ge [sflag:s16], $0x2000  }
0x1f: {  	[sflag:s16] =	ssyncset.done $0x0  }
0x20: {  	s30 =	sadd.s32 $0x0, s7;
	[sflag:s16] =	ssyncadd.s32 $0xFFFFE000  }
0x21: {  	[hbm4b:s30+s4] =	stream.linear.scatter [tilespmem:s11], [sflag:$0x5], $0x2000, $0x38;
	[tilespmem:$0x8880] =	vst v63  }
0x22: {  	s25 =	sadd.s32 $0x0, s8  }
0x23: {  	[hbm4b:s25+s4] =	stream.linear.scatter [tilespmem:s12], [sflag:$0x6], $0x2000, $0x38;
	[tilespmem:$0x8880] =	vst v63  }
0x24: {  	_ =	swait.ge [sflag:s17], $0x2000  }
0x25: {  	[sflag:s17] =	ssyncset.done $0x0  }
0x26: {  	[sflag:s17] =	ssyncadd.s32 $0xFFFFE000  }
0x27: {  	_ =	swait.ge [sflag:s18], $0x2000  }
0x28: {  	[sflag:s18] =	ssyncset.done $0x0  }
0x29: {  	s24 =	sadd.s32 $0x400, s30;
	[sflag:s18] =	ssyncadd.s32 $0xFFFFE000  }
0x2a: {  	[hbm4b:s24+s4] =	stream.linear.scatter [tilespmem:s13], [sflag:$0x7], $0x2000, $0x38;
	[tilespmem:$0x8880] =	vst v63  }
0x2b: {  	s31 =	sadd.s32 $0x400, s25  }
0x2c: {  	[hbm4b:s31+s4] =	stream.linear.scatter [tilespmem:s14], [sflag:$0x8], $0x2000, $0x38;
	[tilespmem:$0x8880] =	vst v63  }
0x2d: {  	_ =	swait.ge [sflag:s19], $0x2000  }
0x2e: {  	[sflag:s19] =	ssyncset.done $0x0  }
0x2f: {  	[sflag:s19] =	ssyncadd.s32 $0xFFFFE000  }
0x30: {  	_ =	swait.ge [sflag:s20], $0x2000  }
0x31: {  	[sflag:s20] =	ssyncset.done $0x0  }
0x32: {  	[sflag:s20] =	ssyncadd.s32 $0xFFFFE000  }
0x33: {  	_ =	swait.ge [sflag:s21], $0x2000  }
0x34: {  	[sflag:s21] =	ssyncset.done $0x0  }
0x35: {  	[sflag:s21] =	ssyncadd.s32 $0xFFFFE000  }
0x36: {  	_ =	swait.ge [sflag:s22], $0x2000  }
0x37: {  	s25 =	simm.s32 $0x0;
	s24 =	simm.s32 $0x800;
	[sflag:s22] =	ssyncset.done $0x0  }
.LBB2_2:
0x38: {  	p0 =	sne.s32 s24, $0x8000;
	[sflag:s22] =	ssyncadd.s32 $0xFFFFE000;
	s25 =	sadd.s32 $0x80, s25  }
0x39: {  	[tilespmem:s11], [sflag:$0x1] =	stream.indirect.gather [hbm4b:s1+s10], $0x80, s25, s10, $0xb8;
	[tilespmem:$0x8880] =	vst v63  }
0x3a: {  	s26 =	smov.u32 s24;
	s24 =	sadd.s32 $0x800, s24  }
0x3b: {  	[tilespmem:s12], [sflag:$0x2] =	stream.indirect.gather [hbm4b:s3+s10], $0x80, s25, s10, $0xb8;
	[tilespmem:$0x8880] =	vst v63  }
0x3c: {  	s28 =	sadd.s32 $0x40, s25  }
0x3d: {  	[tilespmem:s13], [sflag:$0x3] =	stream.indirect.gather [hbm4b:s1+s10], $0x80, s28, s10, $0xb8;
	[tilespmem:$0x8880] =	vst v63  }
0x3e: {  	_ = 	snop  }
0x3f: {  	[tilespmem:s14], [sflag:$0x4] =	stream.indirect.gather [hbm4b:s3+s10], $0x80, s28, s10, $0xb8;
	[tilespmem:$0x8880] =	vst v63  }
0x40: {  	_ =	swait.ge [sflag:s15], $0x2000  }
0x41: {  	[sflag:s15] =	ssyncset.done $0x0  }
0x42: {  	[sflag:s15] =	ssyncadd.s32 $0xFFFFE000  }
0x43: {  	_ =	swait.ge [sflag:s16], $0x2000  }
0x44: {  	[sflag:s16] =	ssyncset.done $0x0  }
0x45: {  	s28 =	sadd.s32 s26, s7;
	[sflag:s16] =	ssyncadd.s32 $0xFFFFE000  }
0x46: {  	[hbm4b:s28+s4] =	stream.linear.scatter [tilespmem:s11], [sflag:$0x5], $0x2000, $0x38;
	[tilespmem:$0x8880] =	vst v63  }
0x47: {  	s26 =	sadd.s32 s26, s8  }
0x48: {  	[hbm4b:s26+s4] =	stream.linear.scatter [tilespmem:s12], [sflag:$0x6], $0x2000, $0x38;
	[tilespmem:$0x8880] =	vst v63  }
0x49: {  	_ =	swait.ge [sflag:s17], $0x2000  }
0x4a: {  	[sflag:s17] =	ssyncset.done $0x0  }
0x4b: {  	[sflag:s17] =	ssyncadd.s32 $0xFFFFE000  }
0x4c: {  	_ =	swait.ge [sflag:s18], $0x2000  }
0x4d: {  	[sflag:s18] =	ssyncset.done $0x0  }
0x4e: {  	s28 =	sadd.s32 $0x400, s28;
	[sflag:s18] =	ssyncadd.s32 $0xFFFFE000  }
0x4f: {  	[hbm4b:s28+s4] =	stream.linear.scatter [tilespmem:s13], [sflag:$0x7], $0x2000, $0x38;
	[tilespmem:$0x8880] =	vst v63  }
0x50: {  	s26 =	sadd.s32 $0x400, s26  }
0x51: {  	[hbm4b:s26+s4] =	stream.linear.scatter [tilespmem:s14], [sflag:$0x8], $0x2000, $0x38;
	[tilespmem:$0x8880] =	vst v63  }
0x52: {  	_ =	swait.ge [sflag:s19], $0x2000  }
0x53: {  	[sflag:s19] =	ssyncset.done $0x0  }
0x54: {  	[sflag:s19] =	ssyncadd.s32 $0xFFFFE000  }
0x55: {  	_ =	swait.ge [sflag:s20], $0x2000  }
0x56: {  	[sflag:s20] =	ssyncset.done $0x0  }
0x57: {  	[sflag:s20] =	ssyncadd.s32 $0xFFFFE000  }
.Ltmp0:
0x58: {  	_ =	swait.ge [sflag:s21], $0x2000;
	(pc) =	sbr.rel @p0 .LBB2_2-.Ltmp0, $4  }
0x59: {  	[sflag:s21] =	ssyncset.done $0x0  }
0x5a: {  	[sflag:s21] =	ssyncadd.s32 $0xFFFFE000  }
0x5b: {  	_ =	swait.ge [sflag:s22], $0x2000  }
0x5c: {  	[sflag:s22] =	ssyncset.done $0x0  }
0x5d: {  	s23 =	sadd.s32 $0x1, s23  }
0x5e: {  	p0 =	sne.s32 s23, s6  }
.Ltmp1:
0x5f: {  	_ = 	snop;
	(pc) =	sbr.rel @p0 .LBB2_1-.Ltmp1, $2  }
0x60: {  	_ =	sdelay $0x2  }
0x61: {  	[sflag:s22] =	ssyncadd.s32 $0xFFFFE000  }
0x62: {  	_ =	sfence.sel $0x180000  }
0x63: {  	[bflag:$0x0] =	sbarrier.arrive $0xFFFF  }
0x64: {  	p0 =	sne.s32 s0, $0x0;
	_ =	strace $0x90000050  }
0x65: {  	s0 =	sadd.s32 @!p0 $0x100000, s2;
	[bflag:$0x2] =	sbarrier.arrive $0xFFFF  }
0x66: {  	[sflag:s0] =	ssyncadd.tile.s32 @!p0 $0x1;
	_ =	shalt  }
.Lfunc_end2:
_tile_overlayer_lowered:
.L_overlay_start_2:
0x67: {  	(tag) =	ssettag $0x2  }
0x68: {  	s0 =	rddreg [dreg:$0x0];
	s2 =	stileid.u32  }
0x69: {  	s1 =	rddreg [dreg:$0x1];
	p0 =	sne.s32 s2, $0x0  }
0x6a: {  	s3 =	rddreg [dreg:$0x2];
	[bflag:$0x3] =	sbarrier.arrive $0xFFFF;
	s2 =	simm.s32 @!p0 $0x1C09  }
0x6b: {  	[timem:s3], [sflag:s2] =	dma.local @!p0 [hbm:s0], s1  }
0x6c: {  	s0 =	simm.s32 @!p0 $0x9  }
0x6d: {  	_ =	swait.ge @!p0 [sflag:s0], s1  }
0x6e: {  	s1 =	ssub.s32 @!p0 $0x0, s1;
	[sflag:s0] =	ssyncset.done @!p0 $0x0  }
0x6f: {  	[sflag:s0] =	ssyncadd.s32 @!p0 s1  }
0x70: {  	[bflag:$0x3] =	sbarrier.arrive $0xFFFF  }
0x71: {  	_ =	shalt  }

// kernel: kernel.15.cloned.1.call-start
scs
__scs_entry_jumppad:
0x0: {  	(pc) =	sbr.rel $0x88, $3  }
0x1: {  	(tag) =	ssettag $0x0;
	lr =	simm.s32 $0x1  }
0x2: {  	[smem:$0x3F94] =	sst lr;
	_ =	strace $0xD0000000  }
0x3: {  	_ = 	snop  }
0x4: {  	_ = 	snop  }
0x5: {  	_ = 	snop  }
0x6: {  	_ = 	snop  }
0x7: {  	_ = 	snop  }
__scs_overlays_trampoline_lowered:
0x8: {  	[smem:$0x3FA3] =	sst s0  }
0x9: {  	[smem:$0x3FA4] =	sst s1  }
0xa: {  	[smem:$0x3FA5] =	sst s2  }
0xb: {  	[smem:$0x3FA6] =	sst s3  }
0xc: {  	[smem:$0x3FA7] =	sst s4  }
0xd: {  	[smem:$0x3FA8] =	sst s5  }
0xe: {  	[smem:$0x3FA9] =	sst s6  }
0xf: {  	[smem:$0x3FAA] =	sst s7  }
0x10: {  	[smem:$0x3FAB] =	sst s8  }
0x11: {  	[smem:$0x3FAC] =	sst s9;
	s0 =	simm.s32 @!p0 $0x0  }
0x12: {  	s1 =	sld [smem:$0x3F92];
	s0 =	simm.s32 @p0 $0x1  }
0x13: {  	[smem:$0x3FAD] =	sst s0;
	s0 =	simm.s32 @!p1 $0x0  }
0x14: {  	s2 =	sld [smem:$0x3F91];
	s0 =	simm.s32 @p1 $0x1  }
0x15: {  	[smem:$0x3FAE] =	sst s0;
	s0 =	simm.s32 @!p2 $0x0  }
0x16: {  	s3 =	sld [smem:$0x3FDB];
	s0 =	simm.s32 @p2 $0x1  }
0x17: {  	s4 =	simm.s32 $0x1BF5;
	[smem:$0x3FB0] =	sst s0  }
0x18: {  	s0 =	sld [smem:$0x3F93];
	_ =	swait.ge [sflag:s4], $0x0  }
0x19: {  	s7 =	sld [smem:$0x3F94]  }
0x1a: {  	s8 =	sadd.s32 $0xFFFFE003, lr  }
0x1b: {  	s9 =	sadd.s32 $0xFFFFFEF7, lr;
	s5 =	simm.s32 $0xFFFFFFFF;
	p2 =	slt.u32 s8, $0xFFFFF086  }
0x1c: {  	p1 =	slt.u32 s9, $0xF7A;
	s5 =	simm.s32 @!p2 $0x0  }
0x1d: {  	s5 =	simm.s32 @p1 $0x1;
	p0 =	seq.s32 s7, s2  }
0x1e: {  	s7 =	smul.u32 @!p0 $0xF7A, s2;
	p2 =	seq.s32 @!p0 s5, $0x0  }
0x1f: {  	s9 =	smul.u32 $0xF7A, s1;
	s8 =	simm.s32 @!p0 $0x1BF5;
	p2 =	por !p2, p0  }
0x20: {  	[sflag:s8] =	ssyncset.s32 @!p0 $0xFFFFF086;
	s6 =	sadd.s32 @!p0 s3, s7;
	s7 =	simm.s32 @!p0 $0x108  }
0x21: {  	s3 =	sadd.s32 s3, s9;
	s6 =	sadd.s32 @!p0 $0x88, s6;
	s7 =	simm.s32 @p2 $0x1082  }
0x22: {  	[simem:s7], [sflag:s8] =	dma.local @!p0 [hbm:s6], $0xF7A  }
0x23: {  	s9 =	sor.u32 $0xD0000000, s2;
	s6 =	simm.s32 $0x108;
	_ =	swait.ge @!p0 [sflag:s8], $0x0  }
0x24: {  	s3 =	sadd.s32 $0x88, s3;
	s6 =	simm.s32 @!p1 $0x1082;
	[sflag:s4] =	ssyncset.s32 $0xFFFFF086  }
0x25: {  	[simem:s6], [sflag:s4] =	dma.local [hbm:s3], $0xF7A  }
0x26: {  	[smem:$0x3F94] =	sst s1;
	(tag) =	ssettag s2;
	_ =	strace s9  }
0x27: {  	s1 =	sld [smem:$0x3FA4]  }
0x28: {  	s2 =	sld [smem:$0x3FA5]  }
0x29: {  	s4 =	sld [smem:$0x3FA7]  }
0x2a: {  	p0 =	seq.s32 s5, $0x0;
	s5 =	sld [smem:$0x3FA8]  }
0x2b: {  	s6 =	sld [smem:$0x3FA9]  }
0x2c: {  	s7 =	sld [smem:$0x3FAA]  }
0x2d: {  	s3 =	simm.s32 $0x108;
	s8 =	sld [smem:$0x3FAB]  }
0x2e: {  	s3 =	simm.s32 @!p0 $0x1082;
	s9 =	sld [smem:$0x3FAC]  }
0x2f: {  	lr =	sadd.s32 s0, s3;
	s0 =	sld [smem:$0x3FA3]  }
0x30: {  	s3 =	sld [smem:$0x3FA6]  }
0x31: {  	[smem:$0x3FAF] =	sst s10  }
0x32: {  	s10 =	sld [smem:$0x3FAD];
	_ =	sdelay $0x3  }
0x33: {  	p0 =	seq.s32 s10, $0x1;
	s10 =	sld [smem:$0x3FAF];
	_ =	sdelay $0x3  }
0x34: {  	[smem:$0x3FAF] =	sst s10  }
0x35: {  	s10 =	sld [smem:$0x3FAE];
	_ =	sdelay $0x3  }
0x36: {  	p1 =	seq.s32 s10, $0x1;
	s10 =	sld [smem:$0x3FAF];
	_ =	sdelay $0x3  }
0x37: {  	[smem:$0x3FAF] =	sst s10  }
0x38: {  	s10 =	sld [smem:$0x3FB0]  }
0x39: {  	_ = 	snop;
	(pc) =	sbr.ind lr, $3  }
0x3a: {  	_ = 	snop  }
0x3b: {  	_ = 	snop  }
0x3c: {  	p2 =	seq.s32 s10, $0x1;
	s10 =	sld [smem:$0x3FAF]  }
0x3d: {  	_ =	shalt  }
0x3e: {  	_ =	shalt  }
0x3f: {  	_ =	shalt  }
0x40: {  	_ =	shalt  }
0x41: {  	_ =	shalt  }
0x42: {  	_ =	shalt  }
0x43: {  	_ =	shalt  }
0x44: {  	_ =	shalt  }
0x45: {  	_ =	shalt  }
0x46: {  	_ =	shalt  }
0x47: {  	_ =	shalt  }
0x48: {  	_ =	shalt  }
0x49: {  	_ =	shalt  }
0x4a: {  	_ =	shalt  }
0x4b: {  	_ =	shalt  }
0x4c: {  	_ =	shalt  }
0x4d: {  	_ =	shalt  }
0x4e: {  	_ =	shalt  }
0x4f: {  	_ =	shalt  }
0x50: {  	_ =	shalt  }
0x51: {  	_ =	shalt  }
0x52: {  	_ =	shalt  }
0x53: {  	_ =	shalt  }
0x54: {  	_ =	shalt  }
0x55: {  	_ =	shalt  }
0x56: {  	_ =	shalt  }
0x57: {  	_ =	shalt  }
0x58: {  	_ =	shalt  }
0x59: {  	_ =	shalt  }
0x5a: {  	_ =	shalt  }
0x5b: {  	_ =	shalt  }
0x5c: {  	_ =	shalt  }
0x5d: {  	_ =	shalt  }
0x5e: {  	_ =	shalt  }
0x5f: {  	_ =	shalt  }
0x60: {  	_ =	shalt  }
0x61: {  	_ =	shalt  }
0x62: {  	_ =	shalt  }
0x63: {  	_ =	shalt  }
0x64: {  	_ =	shalt  }
0x65: {  	_ =	shalt  }
0x66: {  	_ =	shalt  }
0x67: {  	_ =	shalt  }
0x68: {  	_ =	shalt  }
0x69: {  	_ =	shalt  }
0x6a: {  	_ =	shalt  }
0x6b: {  	_ =	shalt  }
0x6c: {  	_ =	shalt  }
0x6d: {  	_ =	shalt  }
0x6e: {  	_ =	shalt  }
0x6f: {  	_ =	shalt  }
0x70: {  	_ =	shalt  }
0x71: {  	_ =	shalt  }
0x72: {  	_ =	shalt  }
0x73: {  	_ =	shalt  }
0x74: {  	_ =	shalt  }
0x75: {  	_ =	shalt  }
0x76: {  	_ =	shalt  }
0x77: {  	_ =	shalt  }
0x78: {  	_ =	shalt  }
0x79: {  	_ =	shalt  }
0x7a: {  	_ =	shalt  }
0x7b: {  	_ =	shalt  }
0x7c: {  	_ =	shalt  }
0x7d: {  	_ =	shalt  }
0x7e: {  	_ =	shalt  }
0x7f: {  	_ =	shalt  }
0x80: {  	_ =	shalt  }
0x81: {  	_ =	shalt  }
0x82: {  	_ =	shalt  }
0x83: {  	_ =	shalt  }
0x84: {  	_ =	shalt  }
0x85: {  	_ =	shalt  }
0x86: {  	_ =	shalt  }
0x87: {  	_ =	shalt  }
.Lfunc_end0:
.L_simem_size_0:
called_computation.1_lowered:
.L_overlay_start_0:
0x88: {  	s2 =	sld [smem:$0x3FD9]  }
0x89: {  	s3 =	sld [smem:$0x3FFE];
	_ =	sdelay $0x1  }
0x8a: {  	s1 =	srdreg.scid  }
0x8b: {  	s0 =	sand.u32 $0x1, s1  }
0x8c: {  	s17 =	sshll.u32 s0, $0xA;
	s2 =	sadd.s32 s3, s2  }
0x8d: {  	s2 =	sadd.s32 s2, s17  }
0x8e: {  	[smem:$0x3FBB] =	sst s2  }
0x8f: {  	_ = 	snop  }
0x90: {  	s2 =	sld [smem:$0x3FC8]  }
0x91: {  	s18 =	sld [smem:$0x3FC7];
	(tm) =	ssettm $0x1  }
0x92: {  	s4 =	sld [smem:$0x3FFB];
	_ =	sdelay $0x3  }
0x93: {  	_ =	strace s4  }
0x94: {  	s4 =	sld [smem:$0x3FFC];
	_ =	sdelay $0x3  }
0x95: {  	_ =	strace s4  }
0x96: {  	s4 =	sld [smem:$0x3FFD];
	_ =	sdelay $0x3  }
0x97: {  	_ =	strace s4  }
0x98: {  	_ =	strace $0x8FFFFFFF  }
0x99: {  	s19 =	sld [smem:$0x3FDB];
	_ =	sdelay $0x1  }
0x9a: {  	s5 =	simm.s32 $_scs_section_size  }
0x9b: {  	s6 =	simm.s32 $_size__tile_overlayer_lowered;
	s7 =	simm.s32 $_tile_overlayer_lowered  }
0x9c: {  	s22 =	simm.s32 $0x1BFF;
	s21 =	sshll.u32 s7, $0x1;
	s4 =	sadd.s32 s5, s19  }
0x9d: {  	s8 =	simm.s32 $0x0;
	s20 =	sshll.u32 s6, $0x1;
	s6 =	sadd.s32 s21, s4  }
0x9e: {  	[timem:s8], [sflag:s22] =	dma.local [hbm:s6], s20  }
0x9f: {  	_ =	swait.ge [sflag:s22], s20  }
0xa0: {  	s5 =	ssub.s32 $0x0, s20;
	[sflag:s22] =	ssyncset.done $0x0  }
0xa1: {  	[sflag:s22] =	ssyncadd.s32 s5;
	_ =	sdelay $0x1  }
0xa2: {  	s23 =	simm.s32 $0x1B8B  }
0xa3: {  	_ =	swait.ge [sflag:s23], $0x1  }
0xa4: {  	[sflag:s23] =	ssyncset.done $0x0  }
0xa5: {  	s25 =	simm.s32 $0x1B8E;
	s24 =	sld [smem:$0x3FFE];
	[sflag:s23] =	ssyncadd.s32 $0xFFFFFFFF  }
0xa6: {  	s26 =	simm.s32 $execute0_lowered;
	[smem:$0x3FD2] =	sst s25  }
0xa7: {  	s6 =	sshll.u32 s26, $0x1;
	_ =	strace $0x80000046;
	[dreg:$0x1] =	wrdreg $0xFFFFFFFF  }
0xa8: {  	s28 =	simm.s32 $_size_execute0_lowered;
	s4 =	sadd.s32 s4, s6;
	[dreg:$0x0] =	wrdreg $0x0  }
0xa9: {  	s6 =	sshll.u32 s28, $0x1;
	[dreg:$0x2] =	wrdreg s4  }
0xaa: {  	[dreg:$0x3] =	wrdreg s6  }
0xab: {  	[dreg:$0x4] =	wrdreg $0xC0  }
0xac: {  	_ =	task [dreg:s8], $0x5FFFF  }
0xad: {  	[dreg:$0x1] =	wrdreg $0xFFFFFFFF  }
0xae: {  	[dreg:$0x0] =	wrdreg $0x60  }
0xaf: {  	[dreg:$0x2] =	wrdreg s2  }
0xb0: {  	[dreg:$0x3] =	wrdreg s18  }
0xb1: {  	[dreg:$0x4] =	wrdreg s24  }
0xb2: {  	[dreg:$0x5] =	wrdreg $0xA  }
0xb3: {  	_ =	task.clear_ibuf [dreg:s8], $0x6FFFF;
	_ =	strace $0x90000046  }
0xb4: {  	s29 =	simm.s32 $0xA;
	_ =	strace $0x80000048  }
0xb5: {  	_ =	swait.ge [sflag:s29], $0x1  }
0xb6: {  	[sflag:s29] =	ssyncadd.s32 $0xFFFFFFFF  }
0xb7: {  	_ =	strace $0x90000048  }
0xb8: {  	_ =	sfence  }
0xb9: {  	s30 =	sld [smem:$0x0];
	_ =	sdelay $0x2  }
0xba: {  	s31 =	sshll.u32 s1, $0xD;
	s1 =	sshrl.u32 s1, $0x2  }
0xbb: {  	s3 =	sand.u32 $0x4000, s31;
	s1 =	sadd.s32 s1, s30  }
0xbc: {  	s0 =	sor.u32 s3, s0;
	s1 =	sshll.u32 s1, $0x11  }
0xbd: {  	s0 =	sor.u32 s1, s0  }
0xbe: {  	s0 =	sadd.s32 $0x8F2B, s0  }
0xbf: {  	[sflag:s0] =	ssyncadd.remote.s32 $0x1  }
0xc0: {  	_ =	sfence.sel $0xFFFF  }
0xc1: {  	[dreg:$0x0] =	wrdreg $0xFFFFFFFF;
	(pc) =	sbr.abs _section_cstart, $3  }
0xc2: {  	[dreg:$0x1] =	wrdreg $0xFFFFFFFF  }
0xc3: {  	_ =	task.clear_ibuf [dreg:s8], $0x2FFFF;
	_ =	strace $0x9FFFFFFF  }
0xc4: {  	(tm) =	ssettm $0x7FFFFFFF  }
0xc5: {  	_ =	shalt  }
tec
execute0_lowered:
.L_overlay_start_1:
0x0: {  	(tag) =	ssettag $0x1  }
0x1: {  	s1 =	rddreg [dreg:$0x0]  }
0x2: {  	s3 =	rddreg [dreg:$0x1];
	s2 =	srdreg.scid  }
0x3: {  	s0 =	stileid.u32;
	s5 =	rddreg [dreg:$0x2]  }
0x4: {  	s4 =	simm.s32 $0x0;
	s10 =	simm.s32 $0x40;
	s11 =	simm.s32 $0x880  }
0x5: {  	s12 =	simm.s32 $0x2880;
	s13 =	simm.s32 $0x4880;
	s14 =	simm.s32 $0x6880  }
0x6: {  	s15 =	simm.s32 $0x1;
	s16 =	simm.s32 $0x2;
	s17 =	simm.s32 $0x3  }
0x7: {  	s18 =	simm.s32 $0x4;
	s19 =	simm.s32 $0x5;
	s20 =	simm.s32 $0x6  }
0x8: {  	s21 =	simm.s32 $0x7;
	s22 =	simm.s32 $0x8;
	s6 =	sand.u32 $0x1, s2  }
0x9: {  	s7 =	sshll.u32 s0, $0x1;
	s2 =	rddreg [dreg:$0x3];
	s8 =	smul.u32 $0x11000, s0  }
0xa: {  	s7 =	sor.u32 s6, s7;
	s9 =	ssub.s32 $0x2, s6;
	s6 =	smul.u32 $0x8800, s6  }
0xb: {  	s23 =	simm.s32 $0x0;
	[smem:$0x7FF] =	sst s4;
	s7 =	smul.u32 $0x880, s7  }
0xc: {  	_ =	strace $0x80000047;
	s8 =	sadd.s32 s8, s5;
	s31 =	sshrl.u32 s9, $0x1  }
0xd: {  	s9 =	ssub.s32 s9, s31;
	s8 =	sadd.s32 s6, s8;
	s7 =	sshrl.u32 s7, $0x3  }
0xe: {  	s6 =	smax.u32 s9, $0x1;
	s9 =	simm.s32 $0x9;
	s7 =	sadd.s32 s7, s5  }
0xf: {  	s5 =	sadd.s32 $0x3F400, s7;
	s7 =	sadd.s32 $0x41600, s8;
	s8 =	sadd.s32 $0x151600, s8  }
.LBB2_1:
0x10: {  	[tilespmem:s4], [sflag:$0x9] =	stream.linear.gather [hbm4b:s5+s4], $0x880, $0x38;
	[tilespmem:$0x8880] =	vst v63  }
0x11: {  	_ =	swait.ge [sflag:s9], $0x880  }
0x12: {  	[sflag:s9] =	ssyncset.done $0x0  }
0x13: {  	[sflag:s9] =	ssyncadd.s32 $0xFFFFF780  }
0x14: {  	[tilespmem:s11], [sflag:$0x1] =	stream.indirect.gather [hbm4b:s1+s10], $0x80, s4, s10, $0xb8;
	[tilespmem:$0x8880] =	vst v63  }
0x15: {  	_ = 	snop  }
0x16: {  	[tilespmem:s12], [sflag:$0x2] =	stream.indirect.gather [hbm4b:s3+s10], $0x80, s4, s10, $0xb8;
	[tilespmem:$0x8880] =	vst v63  }
0x17: {  	s24 =	simm.s32 $0x40  }
0x18: {  	[tilespmem:s13], [sflag:$0x3] =	stream.indirect.gather [hbm4b:s1+s10], $0x80, s24, s10, $0xb8;
	[tilespmem:$0x8880] =	vst v63  }
0x19: {  	_ = 	snop  }
0x1a: {  	[tilespmem:s14], [sflag:$0x4] =	stream.indirect.gather [hbm4b:s3+s10], $0x80, s24, s10, $0xb8;
	[tilespmem:$0x8880] =	vst v63  }
0x1b: {  	_ =	swait.ge [sflag:s15], $0x2000  }
0x1c: {  	[sflag:s15] =	ssyncset.done $0x0  }
0x1d: {  	[sflag:s15] =	ssyncadd.s32 $0xFFFFE000  }
0x1e: {  	_ =	swait.ge [sflag:s16], $0x2000  }
0x1f: {  	[sflag:s16] =	ssyncset.done $0x0  }
0x20: {  	s30 =	sadd.s32 $0x0, s7;
	[sflag:s16] =	ssyncadd.s32 $0xFFFFE000  }
0x21: {  	[hbm4b:s30+s4] =	stream.linear.scatter [tilespmem:s11], [sflag:$0x5], $0x2000, $0x38;
	[tilespmem:$0x8880] =	vst v63  }
0x22: {  	s25 =	sadd.s32 $0x0, s8  }
0x23: {  	[hbm4b:s25+s4] =	stream.linear.scatter [tilespmem:s12], [sflag:$0x6], $0x2000, $0x38;
	[tilespmem:$0x8880] =	vst v63  }
0x24: {  	_ =	swait.ge [sflag:s17], $0x2000  }
0x25: {  	[sflag:s17] =	ssyncset.done $0x0  }
0x26: {  	[sflag:s17] =	ssyncadd.s32 $0xFFFFE000  }
0x27: {  	_ =	swait.ge [sflag:s18], $0x2000  }
0x28: {  	[sflag:s18] =	ssyncset.done $0x0  }
0x29: {  	s24 =	sadd.s32 $0x400, s30;
	[sflag:s18] =	ssyncadd.s32 $0xFFFFE000  }
0x2a: {  	[hbm4b:s24+s4] =	stream.linear.scatter [tilespmem:s13], [sflag:$0x7], $0x2000, $0x38;
	[tilespmem:$0x8880] =	vst v63  }
0x2b: {  	s31 =	sadd.s32 $0x400, s25  }
0x2c: {  	[hbm4b:s31+s4] =	stream.linear.scatter [tilespmem:s14], [sflag:$0x8], $0x2000, $0x38;
	[tilespmem:$0x8880] =	vst v63  }
0x2d: {  	_ =	swait.ge [sflag:s19], $0x2000  }
0x2e: {  	[sflag:s19] =	ssyncset.done $0x0  }
0x2f: {  	[sflag:s19] =	ssyncadd.s32 $0xFFFFE000  }
0x30: {  	_ =	swait.ge [sflag:s20], $0x2000  }
0x31: {  	[sflag:s20] =	ssyncset.done $0x0  }
0x32: {  	[sflag:s20] =	ssyncadd.s32 $0xFFFFE000  }
0x33: {  	_ =	swait.ge [sflag:s21], $0x2000  }
0x34: {  	[sflag:s21] =	ssyncset.done $0x0  }
0x35: {  	[sflag:s21] =	ssyncadd.s32 $0xFFFFE000  }
0x36: {  	_ =	swait.ge [sflag:s22], $0x2000  }
0x37: {  	s25 =	simm.s32 $0x0;
	s24 =	simm.s32 $0x800;
	[sflag:s22] =	ssyncset.done $0x0  }
.LBB2_2:
0x38: {  	p0 =	sne.s32 s24, $0x8000;
	[sflag:s22] =	ssyncadd.s32 $0xFFFFE000;
	s25 =	sadd.s32 $0x80, s25  }
0x39: {  	[tilespmem:s11], [sflag:$0x1] =	stream.indirect.gather [hbm4b:s1+s10], $0x80, s25, s10, $0xb8;
	[tilespmem:$0x8880] =	vst v63  }
0x3a: {  	s26 =	smov.u32 s24;
	s24 =	sadd.s32 $0x800, s24  }
0x3b: {  	[tilespmem:s12], [sflag:$0x2] =	stream.indirect.gather [hbm4b:s3+s10], $0x80, s25, s10, $0xb8;
	[tilespmem:$0x8880] =	vst v63  }
0x3c: {  	s28 =	sadd.s32 $0x40, s25  }
0x3d: {  	[tilespmem:s13], [sflag:$0x3] =	stream.indirect.gather [hbm4b:s1+s10], $0x80, s28, s10, $0xb8;
	[tilespmem:$0x8880] =	vst v63  }
0x3e: {  	_ = 	snop  }
0x3f: {  	[tilespmem:s14], [sflag:$0x4] =	stream.indirect.gather [hbm4b:s3+s10], $0x80, s28, s10, $0xb8;
	[tilespmem:$0x8880] =	vst v63  }
0x40: {  	_ =	swait.ge [sflag:s15], $0x2000  }
0x41: {  	[sflag:s15] =	ssyncset.done $0x0  }
0x42: {  	[sflag:s15] =	ssyncadd.s32 $0xFFFFE000  }
0x43: {  	_ =	swait.ge [sflag:s16], $0x2000  }
0x44: {  	[sflag:s16] =	ssyncset.done $0x0  }
0x45: {  	s28 =	sadd.s32 s26, s7;
	[sflag:s16] =	ssyncadd.s32 $0xFFFFE000  }
0x46: {  	[hbm4b:s28+s4] =	stream.linear.scatter [tilespmem:s11], [sflag:$0x5], $0x2000, $0x38;
	[tilespmem:$0x8880] =	vst v63  }
0x47: {  	s26 =	sadd.s32 s26, s8  }
0x48: {  	[hbm4b:s26+s4] =	stream.linear.scatter [tilespmem:s12], [sflag:$0x6], $0x2000, $0x38;
	[tilespmem:$0x8880] =	vst v63  }
0x49: {  	_ =	swait.ge [sflag:s17], $0x2000  }
0x4a: {  	[sflag:s17] =	ssyncset.done $0x0  }
0x4b: {  	[sflag:s17] =	ssyncadd.s32 $0xFFFFE000  }
0x4c: {  	_ =	swait.ge [sflag:s18], $0x2000  }
0x4d: {  	[sflag:s18] =	ssyncset.done $0x0  }
0x4e: {  	s28 =	sadd.s32 $0x400, s28;
	[sflag:s18] =	ssyncadd.s32 $0xFFFFE000  }
0x4f: {  	[hbm4b:s28+s4] =	stream.linear.scatter [tilespmem:s13], [sflag:$0x7], $0x2000, $0x38;
	[tilespmem:$0x8880] =	vst v63  }
0x50: {  	s26 =	sadd.s32 $0x400, s26  }
0x51: {  	[hbm4b:s26+s4] =	stream.linear.scatter [tilespmem:s14], [sflag:$0x8], $0x2000, $0x38;
	[tilespmem:$0x8880] =	vst v63  }
0x52: {  	_ =	swait.ge [sflag:s19], $0x2000  }
0x53: {  	[sflag:s19] =	ssyncset.done $0x0  }
0x54: {  	[sflag:s19] =	ssyncadd.s32 $0xFFFFE000  }
0x55: {  	_ =	swait.ge [sflag:s20], $0x2000  }
0x56: {  	[sflag:s20] =	ssyncset.done $0x0  }
0x57: {  	[sflag:s20] =	ssyncadd.s32 $0xFFFFE000  }
.Ltmp0:
0x58: {  	_ =	swait.ge [sflag:s21], $0x2000;
	(pc) =	sbr.rel @p0 .LBB2_2-.Ltmp0, $4  }
0x59: {  	[sflag:s21] =	ssyncset.done $0x0  }
0x5a: {  	[sflag:s21] =	ssyncadd.s32 $0xFFFFE000  }
0x5b: {  	_ =	swait.ge [sflag:s22], $0x2000  }
0x5c: {  	[sflag:s22] =	ssyncset.done $0x0  }
0x5d: {  	s23 =	sadd.s32 $0x1, s23  }
0x5e: {  	p0 =	sne.s32 s23, s6  }
.Ltmp1:
0x5f: {  	_ = 	snop;
	(pc) =	sbr.rel @p0 .LBB2_1-.Ltmp1, $2  }
0x60: {  	_ =	sdelay $0x2  }
0x61: {  	[sflag:s22] =	ssyncadd.s32 $0xFFFFE000  }
0x62: {  	_ =	sfence.sel $0x180000  }
0x63: {  	[bflag:$0x0] =	sbarrier.arrive $0xFFFF  }
0x64: {  	p0 =	sne.s32 s0, $0x0;
	_ =	strace $0x90000047  }
0x65: {  	s0 =	sadd.s32 @!p0 $0x100000, s2;
	[bflag:$0x2] =	sbarrier.arrive $0xFFFF  }
0x66: {  	[sflag:s0] =	ssyncadd.tile.s32 @!p0 $0x1;
	_ =	shalt  }
.Lfunc_end2:
_tile_overlayer_lowered:
.L_overlay_start_2:
0x67: {  	(tag) =	ssettag $0x2  }
0x68: {  	s0 =	rddreg [dreg:$0x0];
	s2 =	stileid.u32  }
0x69: {  	s1 =	rddreg [dreg:$0x1];
	p0 =	sne.s32 s2, $0x0  }
0x6a: {  	s3 =	rddreg [dreg:$0x2];
	[bflag:$0x3] =	sbarrier.arrive $0xFFFF;
	s2 =	simm.s32 @!p0 $0x1C09  }
0x6b: {  	[timem:s3], [sflag:s2] =	dma.local @!p0 [hbm:s0], s1  }
0x6c: {  	s0 =	simm.s32 @!p0 $0x9  }
0x6d: {  	_ =	swait.ge @!p0 [sflag:s0], s1  }
0x6e: {  	s1 =	ssub.s32 @!p0 $0x0, s1;
	[sflag:s0] =	ssyncset.done @!p0 $0x0  }
0x6f: {  	[sflag:s0] =	ssyncadd.s32 @!p0 s1  }
0x70: {  	[bflag:$0x3] =	sbarrier.arrive $0xFFFF  }
0x71: {  	_ =	shalt  }

// kernel: kernel.18.cloned.1.call-start
scs
__scs_entry_jumppad:
0x0: {  	(pc) =	sbr.rel $0x88, $3  }
0x1: {  	(tag) =	ssettag $0x0;
	lr =	simm.s32 $0x1  }
0x2: {  	[smem:$0x3F94] =	sst lr;
	_ =	strace $0xD0000000  }
0x3: {  	_ = 	snop  }
0x4: {  	_ = 	snop  }
0x5: {  	_ = 	snop  }
0x6: {  	_ = 	snop  }
0x7: {  	_ = 	snop  }
__scs_overlays_trampoline_lowered:
0x8: {  	[smem:$0x3FA3] =	sst s0  }
0x9: {  	[smem:$0x3FA4] =	sst s1  }
0xa: {  	[smem:$0x3FA5] =	sst s2  }
0xb: {  	[smem:$0x3FA6] =	sst s3  }
0xc: {  	[smem:$0x3FA7] =	sst s4  }
0xd: {  	[smem:$0x3FA8] =	sst s5  }
0xe: {  	[smem:$0x3FA9] =	sst s6  }
0xf: {  	[smem:$0x3FAA] =	sst s7  }
0x10: {  	[smem:$0x3FAB] =	sst s8  }
0x11: {  	[smem:$0x3FAC] =	sst s9;
	s0 =	simm.s32 @!p0 $0x0  }
0x12: {  	s1 =	sld [smem:$0x3F92];
	s0 =	simm.s32 @p0 $0x1  }
0x13: {  	[smem:$0x3FAD] =	sst s0;
	s0 =	simm.s32 @!p1 $0x0  }
0x14: {  	s2 =	sld [smem:$0x3F91];
	s0 =	simm.s32 @p1 $0x1  }
0x15: {  	[smem:$0x3FAE] =	sst s0;
	s0 =	simm.s32 @!p2 $0x0  }
0x16: {  	s3 =	sld [smem:$0x3FDB];
	s0 =	simm.s32 @p2 $0x1  }
0x17: {  	s4 =	simm.s32 $0x1BF5;
	[smem:$0x3FB0] =	sst s0  }
0x18: {  	s0 =	sld [smem:$0x3F93];
	_ =	swait.ge [sflag:s4], $0x0  }
0x19: {  	s7 =	sld [smem:$0x3F94]  }
0x1a: {  	s8 =	sadd.s32 $0xFFFFE003, lr  }
0x1b: {  	s9 =	sadd.s32 $0xFFFFFEF7, lr;
	s5 =	simm.s32 $0xFFFFFFFF;
	p2 =	slt.u32 s8, $0xFFFFF086  }
0x1c: {  	p1 =	slt.u32 s9, $0xF7A;
	s5 =	simm.s32 @!p2 $0x0  }
0x1d: {  	s5 =	simm.s32 @p1 $0x1;
	p0 =	seq.s32 s7, s2  }
0x1e: {  	s7 =	smul.u32 @!p0 $0xF7A, s2;
	p2 =	seq.s32 @!p0 s5, $0x0  }
0x1f: {  	s9 =	smul.u32 $0xF7A, s1;
	s8 =	simm.s32 @!p0 $0x1BF5;
	p2 =	por !p2, p0  }
0x20: {  	[sflag:s8] =	ssyncset.s32 @!p0 $0xFFFFF086;
	s6 =	sadd.s32 @!p0 s3, s7;
	s7 =	simm.s32 @!p0 $0x108  }
0x21: {  	s3 =	sadd.s32 s3, s9;
	s6 =	sadd.s32 @!p0 $0x88, s6;
	s7 =	simm.s32 @p2 $0x1082  }
0x22: {  	[simem:s7], [sflag:s8] =	dma.local @!p0 [hbm:s6], $0xF7A  }
0x23: {  	s9 =	sor.u32 $0xD0000000, s2;
	s6 =	simm.s32 $0x108;
	_ =	swait.ge @!p0 [sflag:s8], $0x0  }
0x24: {  	s3 =	sadd.s32 $0x88, s3;
	s6 =	simm.s32 @!p1 $0x1082;
	[sflag:s4] =	ssyncset.s32 $0xFFFFF086  }
0x25: {  	[simem:s6], [sflag:s4] =	dma.local [hbm:s3], $0xF7A  }
0x26: {  	[smem:$0x3F94] =	sst s1;
	(tag) =	ssettag s2;
	_ =	strace s9  }
0x27: {  	s1 =	sld [smem:$0x3FA4]  }
0x28: {  	s2 =	sld [smem:$0x3FA5]  }
0x29: {  	s4 =	sld [smem:$0x3FA7]  }
0x2a: {  	p0 =	seq.s32 s5, $0x0;
	s5 =	sld [smem:$0x3FA8]  }
0x2b: {  	s6 =	sld [smem:$0x3FA9]  }
0x2c: {  	s7 =	sld [smem:$0x3FAA]  }
0x2d: {  	s3 =	simm.s32 $0x108;
	s8 =	sld [smem:$0x3FAB]  }
0x2e: {  	s3 =	simm.s32 @!p0 $0x1082;
	s9 =	sld [smem:$0x3FAC]  }
0x2f: {  	lr =	sadd.s32 s0, s3;
	s0 =	sld [smem:$0x3FA3]  }
0x30: {  	s3 =	sld [smem:$0x3FA6]  }
0x31: {  	[smem:$0x3FAF] =	sst s10  }
0x32: {  	s10 =	sld [smem:$0x3FAD];
	_ =	sdelay $0x3  }
0x33: {  	p0 =	seq.s32 s10, $0x1;
	s10 =	sld [smem:$0x3FAF];
	_ =	sdelay $0x3  }
0x34: {  	[smem:$0x3FAF] =	sst s10  }
0x35: {  	s10 =	sld [smem:$0x3FAE];
	_ =	sdelay $0x3  }
0x36: {  	p1 =	seq.s32 s10, $0x1;
	s10 =	sld [smem:$0x3FAF];
	_ =	sdelay $0x3  }
0x37: {  	[smem:$0x3FAF] =	sst s10  }
0x38: {  	s10 =	sld [smem:$0x3FB0]  }
0x39: {  	_ = 	snop;
	(pc) =	sbr.ind lr, $3  }
0x3a: {  	_ = 	snop  }
0x3b: {  	_ = 	snop  }
0x3c: {  	p2 =	seq.s32 s10, $0x1;
	s10 =	sld [smem:$0x3FAF]  }
0x3d: {  	_ =	shalt  }
0x3e: {  	_ =	shalt  }
0x3f: {  	_ =	shalt  }
0x40: {  	_ =	shalt  }
0x41: {  	_ =	shalt  }
0x42: {  	_ =	shalt  }
0x43: {  	_ =	shalt  }
0x44: {  	_ =	shalt  }
0x45: {  	_ =	shalt  }
0x46: {  	_ =	shalt  }
0x47: {  	_ =	shalt  }
0x48: {  	_ =	shalt  }
0x49: {  	_ =	shalt  }
0x4a: {  	_ =	shalt  }
0x4b: {  	_ =	shalt  }
0x4c: {  	_ =	shalt  }
0x4d: {  	_ =	shalt  }
0x4e: {  	_ =	shalt  }
0x4f: {  	_ =	shalt  }
0x50: {  	_ =	shalt  }
0x51: {  	_ =	shalt  }
0x52: {  	_ =	shalt  }
0x53: {  	_ =	shalt  }
0x54: {  	_ =	shalt  }
0x55: {  	_ =	shalt  }
0x56: {  	_ =	shalt  }
0x57: {  	_ =	shalt  }
0x58: {  	_ =	shalt  }
0x59: {  	_ =	shalt  }
0x5a: {  	_ =	shalt  }
0x5b: {  	_ =	shalt  }
0x5c: {  	_ =	shalt  }
0x5d: {  	_ =	shalt  }
0x5e: {  	_ =	shalt  }
0x5f: {  	_ =	shalt  }
0x60: {  	_ =	shalt  }
0x61: {  	_ =	shalt  }
0x62: {  	_ =	shalt  }
0x63: {  	_ =	shalt  }
0x64: {  	_ =	shalt  }
0x65: {  	_ =	shalt  }
0x66: {  	_ =	shalt  }
0x67: {  	_ =	shalt  }
0x68: {  	_ =	shalt  }
0x69: {  	_ =	shalt  }
0x6a: {  	_ =	shalt  }
0x6b: {  	_ =	shalt  }
0x6c: {  	_ =	shalt  }
0x6d: {  	_ =	shalt  }
0x6e: {  	_ =	shalt  }
0x6f: {  	_ =	shalt  }
0x70: {  	_ =	shalt  }
0x71: {  	_ =	shalt  }
0x72: {  	_ =	shalt  }
0x73: {  	_ =	shalt  }
0x74: {  	_ =	shalt  }
0x75: {  	_ =	shalt  }
0x76: {  	_ =	shalt  }
0x77: {  	_ =	shalt  }
0x78: {  	_ =	shalt  }
0x79: {  	_ =	shalt  }
0x7a: {  	_ =	shalt  }
0x7b: {  	_ =	shalt  }
0x7c: {  	_ =	shalt  }
0x7d: {  	_ =	shalt  }
0x7e: {  	_ =	shalt  }
0x7f: {  	_ =	shalt  }
0x80: {  	_ =	shalt  }
0x81: {  	_ =	shalt  }
0x82: {  	_ =	shalt  }
0x83: {  	_ =	shalt  }
0x84: {  	_ =	shalt  }
0x85: {  	_ =	shalt  }
0x86: {  	_ =	shalt  }
0x87: {  	_ =	shalt  }
.Lfunc_end0:
.L_simem_size_0:
called_computation.2_lowered:
.L_overlay_start_0:
0x88: {  	s2 =	sld [smem:$0x3FD9]  }
0x89: {  	s3 =	sld [smem:$0x3FFE];
	_ =	sdelay $0x1  }
0x8a: {  	s1 =	srdreg.scid  }
0x8b: {  	s0 =	sand.u32 $0x1, s1  }
0x8c: {  	s17 =	sshll.u32 s0, $0xA;
	s2 =	sadd.s32 s3, s2  }
0x8d: {  	s2 =	sadd.s32 s2, s17  }
0x8e: {  	[smem:$0x3FBB] =	sst s2  }
0x8f: {  	_ = 	snop  }
0x90: {  	s18 =	sld [smem:$0x3FC8]  }
0x91: {  	s4 =	sld [smem:$0x3FC7];
	(tm) =	ssettm $0x1  }
0x92: {  	s19 =	sld [smem:$0x3FFB];
	_ =	sdelay $0x3  }
0x93: {  	_ =	strace s19  }
0x94: {  	s2 =	sld [smem:$0x3FFC];
	_ =	sdelay $0x3  }
0x95: {  	_ =	strace s2  }
0x96: {  	s2 =	sld [smem:$0x3FFD];
	_ =	sdelay $0x3  }
0x97: {  	_ =	strace s2  }
0x98: {  	_ =	strace $0x8FFFFFFF  }
0x99: {  	s20 =	sld [smem:$0x3FDB];
	_ =	sdelay $0x1  }
0x9a: {  	s5 =	simm.s32 $_scs_section_size  }
0x9b: {  	s6 =	simm.s32 $_size__tile_overlayer_lowered;
	s7 =	simm.s32 $_tile_overlayer_lowered  }
0x9c: {  	s8 =	simm.s32 $0x1BFF;
	s21 =	sshll.u32 s7, $0x1;
	s5 =	sadd.s32 s5, s20  }
0x9d: {  	s22 =	simm.s32 $0x0;
	s6 =	sshll.u32 s6, $0x1;
	s7 =	sadd.s32 s21, s5  }
0x9e: {  	[timem:s22], [sflag:s8] =	dma.local [hbm:s7], s6  }
0x9f: {  	_ =	swait.ge [sflag:s8], s6  }
0xa0: {  	s6 =	ssub.s32 $0x0, s6;
	[sflag:s8] =	ssyncset.done $0x0  }
0xa1: {  	[sflag:s8] =	ssyncadd.s32 s6;
	_ =	sdelay $0x1  }
0xa2: {  	s23 =	simm.s32 $0x1B8B  }
0xa3: {  	_ =	swait.ge [sflag:s23], $0x1  }
0xa4: {  	[sflag:s23] =	ssyncset.done $0x0  }
0xa5: {  	[sflag:s23] =	ssyncadd.s32 $0xFFFFFFFF  }
0xa6: {  	s6 =	sld [smem:$0x0]  }
0xa7: {  	s7 =	sand.u32 $0xFFFFFFFE, s1  }
0xa8: {  	p0 =	sne.s32 s1, s7  }
0xa9: {  	s7 =	sshll.u32 @p0 s7, $0xE  }
0xaa: {  	s7 =	sadd.s32 @p0 $0x11B8D, s7;
	s8 =	sshll.u32 @p0 s6, $0x11  }
0xab: {  	s7 =	sor.u32 @p0 s8, s7  }
0xac: {  	[sflag:s7] =	ssyncadd.remote.s32 @p0 $0x1;
	_ =	sdelay $0x1  }
0xad: {  	s7 =	simm.s32 @p0 $0x1B8D  }
0xae: {  	_ =	swait.eq @p0 [sflag:s7], $0x1  }
0xaf: {  	[sflag:s7] =	ssyncadd.s32 @p0 $0xFFFFFFFF  }
0xb0: {  	s8 =	sshll.u32 @!p0 s1, $0xE  }
0xb1: {  	s8 =	sor.u32 @!p0 $0x4000, s8;
	s7 =	simm.s32 @!p0 $0x1B8D  }
0xb2: {  	s6 =	sshll.u32 @!p0 s6, $0x11;
	s8 =	sadd.s32 @!p0 $0x11B8D, s8;
	_ =	swait.eq @!p0 [sflag:s7], $0x1  }
0xb3: {  	s6 =	sor.u32 @!p0 s6, s8;
	[sflag:s7] =	ssyncadd.s32 @!p0 $0xFFFFFFFF  }
0xb4: {  	s25 =	simm.s32 $0x1B8E;
	s24 =	sld [smem:$0x3FFE];
	[sflag:s6] =	ssyncadd.remote.s32 @!p0 $0x1  }
0xb5: {  	s26 =	simm.s32 $execute0_lowered;
	[smem:$0x3FD2] =	sst s25  }
0xb6: {  	s7 =	sshll.u32 s26, $0x1;
	_ =	strace $0x80000049;
	[dreg:$0x1] =	wrdreg $0xFFFFFFFF  }
0xb7: {  	s28 =	simm.s32 $_size_execute0_lowered;
	s5 =	sadd.s32 s5, s7;
	[dreg:$0x0] =	wrdreg $0x0  }
0xb8: {  	s7 =	sshll.u32 s28, $0x1;
	[dreg:$0x2] =	wrdreg s5  }
0xb9: {  	[dreg:$0x3] =	wrdreg s7  }
0xba: {  	[dreg:$0x4] =	wrdreg $0xC0  }
0xbb: {  	_ =	task [dreg:s22], $0x5FFFF  }
0xbc: {  	[dreg:$0x1] =	wrdreg $0xFFFFFFFF  }
0xbd: {  	[dreg:$0x0] =	wrdreg $0x60  }
0xbe: {  	[dreg:$0x2] =	wrdreg s18  }
0xbf: {  	[dreg:$0x3] =	wrdreg s4  }
0xc0: {  	[dreg:$0x4] =	wrdreg s24  }
0xc1: {  	[dreg:$0x5] =	wrdreg $0xB  }
0xc2: {  	_ =	task.clear_ibuf [dreg:s22], $0x6FFFF;
	_ =	strace $0x90000049  }
0xc3: {  	s29 =	simm.s32 $0xB;
	_ =	strace $0x8000004B  }
0xc4: {  	_ =	swait.ge [sflag:s29], $0x1  }
0xc5: {  	[sflag:s29] =	ssyncadd.s32 $0xFFFFFFFF  }
0xc6: {  	_ =	strace $0x9000004B  }
0xc7: {  	_ =	sfence  }
0xc8: {  	s30 =	sld [smem:$0x0];
	_ =	sdelay $0x2  }
0xc9: {  	s31 =	sshll.u32 s1, $0xD;
	s1 =	sshrl.u32 s1, $0x2  }
0xca: {  	s4 =	sand.u32 $0x4000, s31;
	s1 =	sadd.s32 s1, s30  }
0xcb: {  	s0 =	sor.u32 s4, s0;
	s1 =	sshll.u32 s1, $0x11  }
0xcc: {  	s0 =	sor.u32 s1, s0  }
0xcd: {  	s0 =	sadd.s32 $0x8F2B, s0  }
0xce: {  	[sflag:s0] =	ssyncadd.remote.s32 $0x1  }
0xcf: {  	_ =	sfence.sel $0xFFFF  }
0xd0: {  	[dreg:$0x0] =	wrdreg $0xFFFFFFFF;
	(pc) =	sbr.abs _section_cstart, $3  }
0xd1: {  	[dreg:$0x1] =	wrdreg $0xFFFFFFFF  }
0xd2: {  	_ =	task.clear_ibuf [dreg:s22], $0x2FFFF;
	_ =	strace $0x9FFFFFFF  }
0xd3: {  	(tm) =	ssettm $0x7FFFFFFF  }
tec
execute0_lowered:
.L_overlay_start_1:
0x0: {  	(tag) =	ssettag $0x1  }
0x1: {  	s1 =	rddreg [dreg:$0x0]  }
0x2: {  	s3 =	rddreg [dreg:$0x1];
	s2 =	srdreg.scid  }
0x3: {  	s0 =	stileid.u32;
	s5 =	rddreg [dreg:$0x2]  }
0x4: {  	s4 =	simm.s32 $0x0;
	s10 =	simm.s32 $0x40;
	s11 =	simm.s32 $0x880  }
0x5: {  	s12 =	simm.s32 $0x2880;
	s13 =	simm.s32 $0x4880;
	s14 =	simm.s32 $0x6880  }
0x6: {  	s15 =	simm.s32 $0x1;
	s16 =	simm.s32 $0x2;
	s17 =	simm.s32 $0x3  }
0x7: {  	s18 =	simm.s32 $0x4;
	s19 =	simm.s32 $0x5;
	s20 =	simm.s32 $0x6  }
0x8: {  	s21 =	simm.s32 $0x7;
	s6 =	sand.u32 $0x1, s2;
	s7 =	sshll.u32 s0, $0x1  }
0x9: {  	s2 =	rddreg [dreg:$0x3];
	s8 =	smul.u32 $0x11000, s0;
	s7 =	sor.u32 s6, s7  }
0xa: {  	s22 =	simm.s32 $0x8;
	[smem:$0x7FF] =	sst s4;
	s7 =	smul.u32 $0x880, s7  }
0xb: {  	_ =	strace $0x8000004A;
	s9 =	ssub.s32 $0x2, s6;
	s6 =	smul.u32 $0x8800, s6  }
0xc: {  	s8 =	sadd.s32 s8, s5;
	s31 =	sshrl.u32 s9, $0x1;
	s7 =	sshrl.u32 s7, $0x3  }
0xd: {  	s9 =	ssub.s32 s9, s31;
	s8 =	sadd.s32 s6, s8;
	s7 =	sadd.s32 s7, s5  }
0xe: {  	s6 =	smax.u32 s9, $0x1;
	s9 =	simm.s32 $0x9;
	s5 =	sadd.s32 $0x33400, s7  }
0xf: {  	s23 =	simm.s32 $0x0;
	s7 =	sadd.s32 $0x261600, s8;
	s8 =	sadd.s32 $0x371600, s8  }
.LBB2_1:
0x10: {  	[tilespmem:s4], [sflag:$0x9] =	stream.linear.gather [hbm4b:s5+s4], $0x880, $0x38;
	[tilespmem:$0x8880] =	vst v63  }
0x11: {  	_ =	swait.ge [sflag:s9], $0x880  }
0x12: {  	[sflag:s9] =	ssyncset.done $0x0  }
0x13: {  	[sflag:s9] =	ssyncadd.s32 $0xFFFFF780  }
0x14: {  	[tilespmem:s11], [sflag:$0x1] =	stream.indirect.gather [hbm4b:s1+s10], $0x80, s4, s10, $0xb8;
	[tilespmem:$0x8880] =	vst v63  }
0x15: {  	_ = 	snop  }
0x16: {  	[tilespmem:s12], [sflag:$0x2] =	stream.indirect.gather [hbm4b:s3+s10], $0x80, s4, s10, $0xb8;
	[tilespmem:$0x8880] =	vst v63  }
0x17: {  	s24 =	simm.s32 $0x40  }
0x18: {  	[tilespmem:s13], [sflag:$0x3] =	stream.indirect.gather [hbm4b:s1+s10], $0x80, s24, s10, $0xb8;
	[tilespmem:$0x8880] =	vst v63  }
0x19: {  	_ = 	snop  }
0x1a: {  	[tilespmem:s14], [sflag:$0x4] =	stream.indirect.gather [hbm4b:s3+s10], $0x80, s24, s10, $0xb8;
	[tilespmem:$0x8880] =	vst v63  }
0x1b: {  	_ =	swait.ge [sflag:s15], $0x2000  }
0x1c: {  	[sflag:s15] =	ssyncset.done $0x0  }
0x1d: {  	[sflag:s15] =	ssyncadd.s32 $0xFFFFE000  }
0x1e: {  	_ =	swait.ge [sflag:s16], $0x2000  }
0x1f: {  	[sflag:s16] =	ssyncset.done $0x0  }
0x20: {  	s30 =	sadd.s32 $0x0, s7;
	[sflag:s16] =	ssyncadd.s32 $0xFFFFE000  }
0x21: {  	[hbm4b:s30+s4] =	stream.linear.scatter [tilespmem:s11], [sflag:$0x5], $0x2000, $0x38;
	[tilespmem:$0x8880] =	vst v63  }
0x22: {  	s25 =	sadd.s32 $0x0, s8  }
0x23: {  	[hbm4b:s25+s4] =	stream.linear.scatter [tilespmem:s12], [sflag:$0x6], $0x2000, $0x38;
	[tilespmem:$0x8880] =	vst v63  }
0x24: {  	_ =	swait.ge [sflag:s17], $0x2000  }
0x25: {  	[sflag:s17] =	ssyncset.done $0x0  }
0x26: {  	[sflag:s17] =	ssyncadd.s32 $0xFFFFE000  }
0x27: {  	_ =	swait.ge [sflag:s18], $0x2000  }
0x28: {  	[sflag:s18] =	ssyncset.done $0x0  }
0x29: {  	s24 =	sadd.s32 $0x400, s30;
	[sflag:s18] =	ssyncadd.s32 $0xFFFFE000  }
0x2a: {  	[hbm4b:s24+s4] =	stream.linear.scatter [tilespmem:s13], [sflag:$0x7], $0x2000, $0x38;
	[tilespmem:$0x8880] =	vst v63  }
0x2b: {  	s31 =	sadd.s32 $0x400, s25  }
0x2c: {  	[hbm4b:s31+s4] =	stream.linear.scatter [tilespmem:s14], [sflag:$0x8], $0x2000, $0x38;
	[tilespmem:$0x8880] =	vst v63  }
0x2d: {  	_ =	swait.ge [sflag:s19], $0x2000  }
0x2e: {  	[sflag:s19] =	ssyncset.done $0x0  }
0x2f: {  	[sflag:s19] =	ssyncadd.s32 $0xFFFFE000  }
0x30: {  	_ =	swait.ge [sflag:s20], $0x2000  }
0x31: {  	[sflag:s20] =	ssyncset.done $0x0  }
0x32: {  	[sflag:s20] =	ssyncadd.s32 $0xFFFFE000  }
0x33: {  	_ =	swait.ge [sflag:s21], $0x2000  }
0x34: {  	[sflag:s21] =	ssyncset.done $0x0  }
0x35: {  	[sflag:s21] =	ssyncadd.s32 $0xFFFFE000  }
0x36: {  	_ =	swait.ge [sflag:s22], $0x2000  }
0x37: {  	s25 =	simm.s32 $0x0;
	s24 =	simm.s32 $0x800;
	[sflag:s22] =	ssyncset.done $0x0  }
.LBB2_2:
0x38: {  	p0 =	sne.s32 s24, $0x8000;
	[sflag:s22] =	ssyncadd.s32 $0xFFFFE000;
	s25 =	sadd.s32 $0x80, s25  }
0x39: {  	[tilespmem:s11], [sflag:$0x1] =	stream.indirect.gather [hbm4b:s1+s10], $0x80, s25, s10, $0xb8;
	[tilespmem:$0x8880] =	vst v63  }
0x3a: {  	s26 =	smov.u32 s24;
	s24 =	sadd.s32 $0x800, s24  }
0x3b: {  	[tilespmem:s12], [sflag:$0x2] =	stream.indirect.gather [hbm4b:s3+s10], $0x80, s25, s10, $0xb8;
	[tilespmem:$0x8880] =	vst v63  }
0x3c: {  	s28 =	sadd.s32 $0x40, s25  }
0x3d: {  	[tilespmem:s13], [sflag:$0x3] =	stream.indirect.gather [hbm4b:s1+s10], $0x80, s28, s10, $0xb8;
	[tilespmem:$0x8880] =	vst v63  }
0x3e: {  	_ = 	snop  }
0x3f: {  	[tilespmem:s14], [sflag:$0x4] =	stream.indirect.gather [hbm4b:s3+s10], $0x80, s28, s10, $0xb8;
	[tilespmem:$0x8880] =	vst v63  }
0x40: {  	_ =	swait.ge [sflag:s15], $0x2000  }
0x41: {  	[sflag:s15] =	ssyncset.done $0x0  }
0x42: {  	[sflag:s15] =	ssyncadd.s32 $0xFFFFE000  }
0x43: {  	_ =	swait.ge [sflag:s16], $0x2000  }
0x44: {  	[sflag:s16] =	ssyncset.done $0x0  }
0x45: {  	s28 =	sadd.s32 s26, s7;
	[sflag:s16] =	ssyncadd.s32 $0xFFFFE000  }
0x46: {  	[hbm4b:s28+s4] =	stream.linear.scatter [tilespmem:s11], [sflag:$0x5], $0x2000, $0x38;
	[tilespmem:$0x8880] =	vst v63  }
0x47: {  	s26 =	sadd.s32 s26, s8  }
0x48: {  	[hbm4b:s26+s4] =	stream.linear.scatter [tilespmem:s12], [sflag:$0x6], $0x2000, $0x38;
	[tilespmem:$0x8880] =	vst v63  }
0x49: {  	_ =	swait.ge [sflag:s17], $0x2000  }
0x4a: {  	[sflag:s17] =	ssyncset.done $0x0  }
0x4b: {  	[sflag:s17] =	ssyncadd.s32 $0xFFFFE000  }
0x4c: {  	_ =	swait.ge [sflag:s18], $0x2000  }
0x4d: {  	[sflag:s18] =	ssyncset.done $0x0  }
0x4e: {  	s28 =	sadd.s32 $0x400, s28;
	[sflag:s18] =	ssyncadd.s32 $0xFFFFE000  }
0x4f: {  	[hbm4b:s28+s4] =	stream.linear.scatter [tilespmem:s13], [sflag:$0x7], $0x2000, $0x38;
	[tilespmem:$0x8880] =	vst v63  }
0x50: {  	s26 =	sadd.s32 $0x400, s26  }
0x51: {  	[hbm4b:s26+s4] =	stream.linear.scatter [tilespmem:s14], [sflag:$0x8], $0x2000, $0x38;
	[tilespmem:$0x8880] =	vst v63  }
0x52: {  	_ =	swait.ge [sflag:s19], $0x2000  }
0x53: {  	[sflag:s19] =	ssyncset.done $0x0  }
0x54: {  	[sflag:s19] =	ssyncadd.s32 $0xFFFFE000  }
0x55: {  	_ =	swait.ge [sflag:s20], $0x2000  }
0x56: {  	[sflag:s20] =	ssyncset.done $0x0  }
0x57: {  	[sflag:s20] =	ssyncadd.s32 $0xFFFFE000  }
.Ltmp0:
0x58: {  	_ =	swait.ge [sflag:s21], $0x2000;
	(pc) =	sbr.rel @p0 .LBB2_2-.Ltmp0, $4  }
0x59: {  	[sflag:s21] =	ssyncset.done $0x0  }
0x5a: {  	[sflag:s21] =	ssyncadd.s32 $0xFFFFE000  }
0x5b: {  	_ =	swait.ge [sflag:s22], $0x2000  }
0x5c: {  	[sflag:s22] =	ssyncset.done $0x0  }
0x5d: {  	s23 =	sadd.s32 $0x1, s23  }
0x5e: {  	p0 =	sne.s32 s23, s6  }
.Ltmp1:
0x5f: {  	_ = 	snop;
	(pc) =	sbr.rel @p0 .LBB2_1-.Ltmp1, $2  }
0x60: {  	_ =	sdelay $0x2  }
0x61: {  	[sflag:s22] =	ssyncadd.s32 $0xFFFFE000  }
0x62: {  	_ =	sfence.sel $0x180000  }
0x63: {  	[bflag:$0x0] =	sbarrier.arrive $0xFFFF  }
0x64: {  	p0 =	sne.s32 s0, $0x0;
	_ =	strace $0x9000004A  }
0x65: {  	s0 =	sadd.s32 @!p0 $0x100000, s2;
	[bflag:$0x2] =	sbarrier.arrive $0xFFFF  }
0x66: {  	[sflag:s0] =	ssyncadd.tile.s32 @!p0 $0x1;
	_ =	shalt  }
.Lfunc_end2:
_tile_overlayer_lowered:
.L_overlay_start_2:
0x67: {  	(tag) =	ssettag $0x2  }
0x68: {  	s0 =	rddreg [dreg:$0x0];
	s2 =	stileid.u32  }
0x69: {  	s1 =	rddreg [dreg:$0x1];
	p0 =	sne.s32 s2, $0x0  }
0x6a: {  	s3 =	rddreg [dreg:$0x2];
	[bflag:$0x3] =	sbarrier.arrive $0xFFFF;
	s2 =	simm.s32 @!p0 $0x1C09  }
0x6b: {  	[timem:s3], [sflag:s2] =	dma.local @!p0 [hbm:s0], s1  }
0x6c: {  	s0 =	simm.s32 @!p0 $0x9  }
0x6d: {  	_ =	swait.ge @!p0 [sflag:s0], s1  }
0x6e: {  	s1 =	ssub.s32 @!p0 $0x0, s1;
	[sflag:s0] =	ssyncset.done @!p0 $0x0  }
0x6f: {  	[sflag:s0] =	ssyncadd.s32 @!p0 s1  }
0x70: {  	[bflag:$0x3] =	sbarrier.arrive $0xFFFF  }
0x71: {  	_ =	shalt  }

// kernel: kernel.21.cloned.1.call-start
scs
__scs_entry_jumppad:
0x0: {  	(pc) =	sbr.rel $0x88, $3  }
0x1: {  	(tag) =	ssettag $0x0;
	lr =	simm.s32 $0x1  }
0x2: {  	[smem:$0x3F94] =	sst lr;
	_ =	strace $0xD0000000  }
0x3: {  	_ = 	snop  }
0x4: {  	_ = 	snop  }
0x5: {  	_ = 	snop  }
0x6: {  	_ = 	snop  }
0x7: {  	_ = 	snop  }
__scs_overlays_trampoline_lowered:
0x8: {  	[smem:$0x3FA3] =	sst s0  }
0x9: {  	[smem:$0x3FA4] =	sst s1  }
0xa: {  	[smem:$0x3FA5] =	sst s2  }
0xb: {  	[smem:$0x3FA6] =	sst s3  }
0xc: {  	[smem:$0x3FA7] =	sst s4  }
0xd: {  	[smem:$0x3FA8] =	sst s5  }
0xe: {  	[smem:$0x3FA9] =	sst s6  }
0xf: {  	[smem:$0x3FAA] =	sst s7  }
0x10: {  	[smem:$0x3FAB] =	sst s8  }
0x11: {  	[smem:$0x3FAC] =	sst s9;
	s0 =	simm.s32 @!p0 $0x0  }
0x12: {  	s1 =	sld [smem:$0x3F92];
	s0 =	simm.s32 @p0 $0x1  }
0x13: {  	[smem:$0x3FAD] =	sst s0;
	s0 =	simm.s32 @!p1 $0x0  }
0x14: {  	s2 =	sld [smem:$0x3F91];
	s0 =	simm.s32 @p1 $0x1  }
0x15: {  	[smem:$0x3FAE] =	sst s0;
	s0 =	simm.s32 @!p2 $0x0  }
0x16: {  	s3 =	sld [smem:$0x3FDB];
	s0 =	simm.s32 @p2 $0x1  }
0x17: {  	s4 =	simm.s32 $0x1BF5;
	[smem:$0x3FB0] =	sst s0  }
0x18: {  	s0 =	sld [smem:$0x3F93];
	_ =	swait.ge [sflag:s4], $0x0  }
0x19: {  	s7 =	sld [smem:$0x3F94]  }
0x1a: {  	s8 =	sadd.s32 $0xFFFFE003, lr  }
0x1b: {  	s9 =	sadd.s32 $0xFFFFFEF7, lr;
	s5 =	simm.s32 $0xFFFFFFFF;
	p2 =	slt.u32 s8, $0xFFFFF086  }
0x1c: {  	p1 =	slt.u32 s9, $0xF7A;
	s5 =	simm.s32 @!p2 $0x0  }
0x1d: {  	s5 =	simm.s32 @p1 $0x1;
	p0 =	seq.s32 s7, s2  }
0x1e: {  	s7 =	smul.u32 @!p0 $0xF7A, s2;
	p2 =	seq.s32 @!p0 s5, $0x0  }
0x1f: {  	s9 =	smul.u32 $0xF7A, s1;
	s8 =	simm.s32 @!p0 $0x1BF5;
	p2 =	por !p2, p0  }
0x20: {  	[sflag:s8] =	ssyncset.s32 @!p0 $0xFFFFF086;
	s6 =	sadd.s32 @!p0 s3, s7;
	s7 =	simm.s32 @!p0 $0x108  }
0x21: {  	s3 =	sadd.s32 s3, s9;
	s6 =	sadd.s32 @!p0 $0x88, s6;
	s7 =	simm.s32 @p2 $0x1082  }
0x22: {  	[simem:s7], [sflag:s8] =	dma.local @!p0 [hbm:s6], $0xF7A  }
0x23: {  	s9 =	sor.u32 $0xD0000000, s2;
	s6 =	simm.s32 $0x108;
	_ =	swait.ge @!p0 [sflag:s8], $0x0  }
0x24: {  	s3 =	sadd.s32 $0x88, s3;
	s6 =	simm.s32 @!p1 $0x1082;
	[sflag:s4] =	ssyncset.s32 $0xFFFFF086  }
0x25: {  	[simem:s6], [sflag:s4] =	dma.local [hbm:s3], $0xF7A  }
0x26: {  	[smem:$0x3F94] =	sst s1;
	(tag) =	ssettag s2;
	_ =	strace s9  }
0x27: {  	s1 =	sld [smem:$0x3FA4]  }
0x28: {  	s2 =	sld [smem:$0x3FA5]  }
0x29: {  	s4 =	sld [smem:$0x3FA7]  }
0x2a: {  	p0 =	seq.s32 s5, $0x0;
	s5 =	sld [smem:$0x3FA8]  }
0x2b: {  	s6 =	sld [smem:$0x3FA9]  }
0x2c: {  	s7 =	sld [smem:$0x3FAA]  }
0x2d: {  	s3 =	simm.s32 $0x108;
	s8 =	sld [smem:$0x3FAB]  }
0x2e: {  	s3 =	simm.s32 @!p0 $0x1082;
	s9 =	sld [smem:$0x3FAC]  }
0x2f: {  	lr =	sadd.s32 s0, s3;
	s0 =	sld [smem:$0x3FA3]  }
0x30: {  	s3 =	sld [smem:$0x3FA6]  }
0x31: {  	[smem:$0x3FAF] =	sst s10  }
0x32: {  	s10 =	sld [smem:$0x3FAD];
	_ =	sdelay $0x3  }
0x33: {  	p0 =	seq.s32 s10, $0x1;
	s10 =	sld [smem:$0x3FAF];
	_ =	sdelay $0x3  }
0x34: {  	[smem:$0x3FAF] =	sst s10  }
0x35: {  	s10 =	sld [smem:$0x3FAE];
	_ =	sdelay $0x3  }
0x36: {  	p1 =	seq.s32 s10, $0x1;
	s10 =	sld [smem:$0x3FAF];
	_ =	sdelay $0x3  }
0x37: {  	[smem:$0x3FAF] =	sst s10  }
0x38: {  	s10 =	sld [smem:$0x3FB0]  }
0x39: {  	_ = 	snop;
	(pc) =	sbr.ind lr, $3  }
0x3a: {  	_ = 	snop  }
0x3b: {  	_ = 	snop  }
0x3c: {  	p2 =	seq.s32 s10, $0x1;
	s10 =	sld [smem:$0x3FAF]  }
0x3d: {  	_ =	shalt  }
0x3e: {  	_ =	shalt  }
0x3f: {  	_ =	shalt  }
0x40: {  	_ =	shalt  }
0x41: {  	_ =	shalt  }
0x42: {  	_ =	shalt  }
0x43: {  	_ =	shalt  }
0x44: {  	_ =	shalt  }
0x45: {  	_ =	shalt  }
0x46: {  	_ =	shalt  }
0x47: {  	_ =	shalt  }
0x48: {  	_ =	shalt  }
0x49: {  	_ =	shalt  }
0x4a: {  	_ =	shalt  }
0x4b: {  	_ =	shalt  }
0x4c: {  	_ =	shalt  }
0x4d: {  	_ =	shalt  }
0x4e: {  	_ =	shalt  }
0x4f: {  	_ =	shalt  }
0x50: {  	_ =	shalt  }
0x51: {  	_ =	shalt  }
0x52: {  	_ =	shalt  }
0x53: {  	_ =	shalt  }
0x54: {  	_ =	shalt  }
0x55: {  	_ =	shalt  }
0x56: {  	_ =	shalt  }
0x57: {  	_ =	shalt  }
0x58: {  	_ =	shalt  }
0x59: {  	_ =	shalt  }
0x5a: {  	_ =	shalt  }
0x5b: {  	_ =	shalt  }
0x5c: {  	_ =	shalt  }
0x5d: {  	_ =	shalt  }
0x5e: {  	_ =	shalt  }
0x5f: {  	_ =	shalt  }
0x60: {  	_ =	shalt  }
0x61: {  	_ =	shalt  }
0x62: {  	_ =	shalt  }
0x63: {  	_ =	shalt  }
0x64: {  	_ =	shalt  }
0x65: {  	_ =	shalt  }
0x66: {  	_ =	shalt  }
0x67: {  	_ =	shalt  }
0x68: {  	_ =	shalt  }
0x69: {  	_ =	shalt  }
0x6a: {  	_ =	shalt  }
0x6b: {  	_ =	shalt  }
0x6c: {  	_ =	shalt  }
0x6d: {  	_ =	shalt  }
0x6e: {  	_ =	shalt  }
0x6f: {  	_ =	shalt  }
0x70: {  	_ =	shalt  }
0x71: {  	_ =	shalt  }
0x72: {  	_ =	shalt  }
0x73: {  	_ =	shalt  }
0x74: {  	_ =	shalt  }
0x75: {  	_ =	shalt  }
0x76: {  	_ =	shalt  }
0x77: {  	_ =	shalt  }
0x78: {  	_ =	shalt  }
0x79: {  	_ =	shalt  }
0x7a: {  	_ =	shalt  }
0x7b: {  	_ =	shalt  }
0x7c: {  	_ =	shalt  }
0x7d: {  	_ =	shalt  }
0x7e: {  	_ =	shalt  }
0x7f: {  	_ =	shalt  }
0x80: {  	_ =	shalt  }
0x81: {  	_ =	shalt  }
0x82: {  	_ =	shalt  }
0x83: {  	_ =	shalt  }
0x84: {  	_ =	shalt  }
0x85: {  	_ =	shalt  }
0x86: {  	_ =	shalt  }
0x87: {  	_ =	shalt  }
.Lfunc_end0:
.L_simem_size_0:
called_computation.3_lowered:
.L_overlay_start_0:
0x88: {  	s2 =	sld [smem:$0x3FD9]  }
0x89: {  	s3 =	sld [smem:$0x3FFE];
	_ =	sdelay $0x1  }
0x8a: {  	s1 =	srdreg.scid  }
0x8b: {  	s0 =	sand.u32 $0x1, s1  }
0x8c: {  	s17 =	sshll.u32 s0, $0xA;
	s2 =	sadd.s32 s3, s2  }
0x8d: {  	s2 =	sadd.s32 s2, s17  }
0x8e: {  	[smem:$0x3FBB] =	sst s2  }
0x8f: {  	_ = 	snop  }
0x90: {  	s18 =	sld [smem:$0x3FC8]  }
0x91: {  	s4 =	sld [smem:$0x3FC7];
	(tm) =	ssettm $0x1  }
0x92: {  	s19 =	sld [smem:$0x3FFB];
	_ =	sdelay $0x3  }
0x93: {  	_ =	strace s19  }
0x94: {  	s2 =	sld [smem:$0x3FFC];
	_ =	sdelay $0x3  }
0x95: {  	_ =	strace s2  }
0x96: {  	s2 =	sld [smem:$0x3FFD];
	_ =	sdelay $0x3  }
0x97: {  	_ =	strace s2  }
0x98: {  	_ =	strace $0x8FFFFFFF  }
0x99: {  	s20 =	sld [smem:$0x3FDB];
	_ =	sdelay $0x1  }
0x9a: {  	s5 =	simm.s32 $_scs_section_size  }
0x9b: {  	s6 =	simm.s32 $_size__tile_overlayer_lowered;
	s7 =	simm.s32 $_tile_overlayer_lowered  }
0x9c: {  	s8 =	simm.s32 $0x1BFF;
	s21 =	sshll.u32 s7, $0x1;
	s5 =	sadd.s32 s5, s20  }
0x9d: {  	s22 =	simm.s32 $0x0;
	s6 =	sshll.u32 s6, $0x1;
	s7 =	sadd.s32 s21, s5  }
0x9e: {  	[timem:s22], [sflag:s8] =	dma.local [hbm:s7], s6  }
0x9f: {  	_ =	swait.ge [sflag:s8], s6  }
0xa0: {  	s6 =	ssub.s32 $0x0, s6;
	[sflag:s8] =	ssyncset.done $0x0  }
0xa1: {  	[sflag:s8] =	ssyncadd.s32 s6;
	_ =	sdelay $0x1  }
0xa2: {  	s23 =	simm.s32 $0x1B8B  }
0xa3: {  	_ =	swait.ge [sflag:s23], $0x1  }
0xa4: {  	[sflag:s23] =	ssyncset.done $0x0  }
0xa5: {  	[sflag:s23] =	ssyncadd.s32 $0xFFFFFFFF  }
0xa6: {  	s6 =	sld [smem:$0x0]  }
0xa7: {  	s7 =	sand.u32 $0xFFFFFFFE, s1  }
0xa8: {  	p0 =	sne.s32 s1, s7  }
0xa9: {  	s7 =	sshll.u32 @p0 s7, $0xE  }
0xaa: {  	s7 =	sadd.s32 @p0 $0x11B8D, s7;
	s8 =	sshll.u32 @p0 s6, $0x11  }
0xab: {  	s7 =	sor.u32 @p0 s8, s7  }
0xac: {  	[sflag:s7] =	ssyncadd.remote.s32 @p0 $0x1;
	_ =	sdelay $0x1  }
0xad: {  	s7 =	simm.s32 @p0 $0x1B8D  }
0xae: {  	_ =	swait.eq @p0 [sflag:s7], $0x1  }
0xaf: {  	[sflag:s7] =	ssyncadd.s32 @p0 $0xFFFFFFFF  }
0xb0: {  	s8 =	sshll.u32 @!p0 s1, $0xE  }
0xb1: {  	s8 =	sor.u32 @!p0 $0x4000, s8;
	s7 =	simm.s32 @!p0 $0x1B8D  }
0xb2: {  	s6 =	sshll.u32 @!p0 s6, $0x11;
	s8 =	sadd.s32 @!p0 $0x11B8D, s8;
	_ =	swait.eq @!p0 [sflag:s7], $0x1  }
0xb3: {  	s6 =	sor.u32 @!p0 s6, s8;
	[sflag:s7] =	ssyncadd.s32 @!p0 $0xFFFFFFFF  }
0xb4: {  	s25 =	simm.s32 $0x1B8E;
	s24 =	sld [smem:$0x3FFE];
	[sflag:s6] =	ssyncadd.remote.s32 @!p0 $0x1  }
0xb5: {  	s26 =	simm.s32 $execute0_lowered;
	[smem:$0x3FD2] =	sst s25  }
0xb6: {  	s7 =	sshll.u32 s26, $0x1;
	_ =	strace $0x8000004C;
	[dreg:$0x1] =	wrdreg $0xFFFFFFFF  }
0xb7: {  	s28 =	simm.s32 $_size_execute0_lowered;
	s5 =	sadd.s32 s5, s7;
	[dreg:$0x0] =	wrdreg $0x0  }
0xb8: {  	s7 =	sshll.u32 s28, $0x1;
	[dreg:$0x2] =	wrdreg s5  }
0xb9: {  	[dreg:$0x3] =	wrdreg s7  }
0xba: {  	[dreg:$0x4] =	wrdreg $0xC0  }
0xbb: {  	_ =	task [dreg:s22], $0x5FFFF  }
0xbc: {  	[dreg:$0x1] =	wrdreg $0xFFFFFFFF  }
0xbd: {  	[dreg:$0x0] =	wrdreg $0x60  }
0xbe: {  	[dreg:$0x2] =	wrdreg s18  }
0xbf: {  	[dreg:$0x3] =	wrdreg s4  }
0xc0: {  	[dreg:$0x4] =	wrdreg s24  }
0xc1: {  	[dreg:$0x5] =	wrdreg $0xC  }
0xc2: {  	_ =	task.clear_ibuf [dreg:s22], $0x6FFFF;
	_ =	strace $0x9000004C  }
0xc3: {  	s29 =	simm.s32 $0xC;
	_ =	strace $0x8000004E  }
0xc4: {  	_ =	swait.ge [sflag:s29], $0x1  }
0xc5: {  	[sflag:s29] =	ssyncadd.s32 $0xFFFFFFFF  }
0xc6: {  	_ =	strace $0x9000004E  }
0xc7: {  	_ =	sfence  }
0xc8: {  	s30 =	sld [smem:$0x0];
	_ =	sdelay $0x2  }
0xc9: {  	s31 =	sshll.u32 s1, $0xD;
	s1 =	sshrl.u32 s1, $0x2  }
0xca: {  	s4 =	sand.u32 $0x4000, s31;
	s1 =	sadd.s32 s1, s30  }
0xcb: {  	s0 =	sor.u32 s4, s0;
	s1 =	sshll.u32 s1, $0x11  }
0xcc: {  	s0 =	sor.u32 s1, s0  }
0xcd: {  	s0 =	sadd.s32 $0x8F2B, s0  }
0xce: {  	[sflag:s0] =	ssyncadd.remote.s32 $0x1  }
0xcf: {  	_ =	sfence.sel $0xFFFF  }
0xd0: {  	[dreg:$0x0] =	wrdreg $0xFFFFFFFF;
	(pc) =	sbr.abs _section_cstart, $3  }
0xd1: {  	[dreg:$0x1] =	wrdreg $0xFFFFFFFF  }
0xd2: {  	_ =	task.clear_ibuf [dreg:s22], $0x2FFFF;
	_ =	strace $0x9FFFFFFF  }
0xd3: {  	(tm) =	ssettm $0x7FFFFFFF  }
tec
execute0_lowered:
.L_overlay_start_1:
0x0: {  	(tag) =	ssettag $0x1  }
0x1: {  	s1 =	rddreg [dreg:$0x0]  }
0x2: {  	s3 =	rddreg [dreg:$0x1];
	s2 =	srdreg.scid  }
0x3: {  	s0 =	stileid.u32;
	s5 =	rddreg [dreg:$0x2]  }
0x4: {  	s4 =	simm.s32 $0x0;
	s10 =	simm.s32 $0x40;
	s11 =	simm.s32 $0x880  }
0x5: {  	s12 =	simm.s32 $0x2880;
	s13 =	simm.s32 $0x4880;
	s14 =	simm.s32 $0x6880  }
0x6: {  	s15 =	simm.s32 $0x1;
	s16 =	simm.s32 $0x2;
	s17 =	simm.s32 $0x3  }
0x7: {  	s18 =	simm.s32 $0x4;
	s19 =	simm.s32 $0x5;
	s20 =	simm.s32 $0x6  }
0x8: {  	s21 =	simm.s32 $0x7;
	s6 =	sand.u32 $0x1, s2;
	s7 =	sshll.u32 s0, $0x1  }
0x9: {  	s2 =	rddreg [dreg:$0x3];
	s8 =	smul.u32 $0x11000, s0;
	s7 =	sor.u32 s6, s7  }
0xa: {  	s22 =	simm.s32 $0x8;
	[smem:$0x7FF] =	sst s4;
	s7 =	smul.u32 $0x880, s7  }
0xb: {  	_ =	strace $0x8000004D;
	s9 =	ssub.s32 $0x2, s6;
	s6 =	smul.u32 $0x8800, s6  }
0xc: {  	s8 =	sadd.s32 s8, s5;
	s31 =	sshrl.u32 s9, $0x1;
	s7 =	sshrl.u32 s7, $0x3  }
0xd: {  	s9 =	ssub.s32 s9, s31;
	s8 =	sadd.s32 s6, s8;
	s7 =	sadd.s32 s7, s5  }
0xe: {  	s6 =	smax.u32 s9, $0x1;
	s9 =	simm.s32 $0x9;
	s5 =	sadd.s32 $0x35600, s7  }
0xf: {  	s23 =	simm.s32 $0x0;
	s7 =	sadd.s32 $0x481600, s8;
	s8 =	sadd.s32 $0x591600, s8  }
.LBB2_1:
0x10: {  	[tilespmem:s4], [sflag:$0x9] =	stream.linear.gather [hbm4b:s5+s4], $0x880, $0x38;
	[tilespmem:$0x8880] =	vst v63  }
0x11: {  	_ =	swait.ge [sflag:s9], $0x880  }
0x12: {  	[sflag:s9] =	ssyncset.done $0x0  }
0x13: {  	[sflag:s9] =	ssyncadd.s32 $0xFFFFF780  }
0x14: {  	[tilespmem:s11], [sflag:$0x1] =	stream.indirect.gather [hbm4b:s1+s10], $0x80, s4, s10, $0xb8;
	[tilespmem:$0x8880] =	vst v63  }
0x15: {  	_ = 	snop  }
0x16: {  	[tilespmem:s12], [sflag:$0x2] =	stream.indirect.gather [hbm4b:s3+s10], $0x80, s4, s10, $0xb8;
	[tilespmem:$0x8880] =	vst v63  }
0x17: {  	s24 =	simm.s32 $0x40  }
0x18: {  	[tilespmem:s13], [sflag:$0x3] =	stream.indirect.gather [hbm4b:s1+s10], $0x80, s24, s10, $0xb8;
	[tilespmem:$0x8880] =	vst v63  }
0x19: {  	_ = 	snop  }
0x1a: {  	[tilespmem:s14], [sflag:$0x4] =	stream.indirect.gather [hbm4b:s3+s10], $0x80, s24, s10, $0xb8;
	[tilespmem:$0x8880] =	vst v63  }
0x1b: {  	_ =	swait.ge [sflag:s15], $0x2000  }
0x1c: {  	[sflag:s15] =	ssyncset.done $0x0  }
0x1d: {  	[sflag:s15] =	ssyncadd.s32 $0xFFFFE000  }
0x1e: {  	_ =	swait.ge [sflag:s16], $0x2000  }
0x1f: {  	[sflag:s16] =	ssyncset.done $0x0  }
0x20: {  	s30 =	sadd.s32 $0x0, s7;
	[sflag:s16] =	ssyncadd.s32 $0xFFFFE000  }
0x21: {  	[hbm4b:s30+s4] =	stream.linear.scatter [tilespmem:s11], [sflag:$0x5], $0x2000, $0x38;
	[tilespmem:$0x8880] =	vst v63  }
0x22: {  	s25 =	sadd.s32 $0x0, s8  }
0x23: {  	[hbm4b:s25+s4] =	stream.linear.scatter [tilespmem:s12], [sflag:$0x6], $0x2000, $0x38;
	[tilespmem:$0x8880] =	vst v63  }
0x24: {  	_ =	swait.ge [sflag:s17], $0x2000  }
0x25: {  	[sflag:s17] =	ssyncset.done $0x0  }
0x26: {  	[sflag:s17] =	ssyncadd.s32 $0xFFFFE000  }
0x27: {  	_ =	swait.ge [sflag:s18], $0x2000  }
0x28: {  	[sflag:s18] =	ssyncset.done $0x0  }
0x29: {  	s24 =	sadd.s32 $0x400, s30;
	[sflag:s18] =	ssyncadd.s32 $0xFFFFE000  }
0x2a: {  	[hbm4b:s24+s4] =	stream.linear.scatter [tilespmem:s13], [sflag:$0x7], $0x2000, $0x38;
	[tilespmem:$0x8880] =	vst v63  }
0x2b: {  	s31 =	sadd.s32 $0x400, s25  }
0x2c: {  	[hbm4b:s31+s4] =	stream.linear.scatter [tilespmem:s14], [sflag:$0x8], $0x2000, $0x38;
	[tilespmem:$0x8880] =	vst v63  }
0x2d: {  	_ =	swait.ge [sflag:s19], $0x2000  }
0x2e: {  	[sflag:s19] =	ssyncset.done $0x0  }
0x2f: {  	[sflag:s19] =	ssyncadd.s32 $0xFFFFE000  }
0x30: {  	_ =	swait.ge [sflag:s20], $0x2000  }
0x31: {  	[sflag:s20] =	ssyncset.done $0x0  }
0x32: {  	[sflag:s20] =	ssyncadd.s32 $0xFFFFE000  }
0x33: {  	_ =	swait.ge [sflag:s21], $0x2000  }
0x34: {  	[sflag:s21] =	ssyncset.done $0x0  }
0x35: {  	[sflag:s21] =	ssyncadd.s32 $0xFFFFE000  }
0x36: {  	_ =	swait.ge [sflag:s22], $0x2000  }
0x37: {  	s25 =	simm.s32 $0x0;
	s24 =	simm.s32 $0x800;
	[sflag:s22] =	ssyncset.done $0x0  }
.LBB2_2:
0x38: {  	p0 =	sne.s32 s24, $0x8000;
	[sflag:s22] =	ssyncadd.s32 $0xFFFFE000;
	s25 =	sadd.s32 $0x80, s25  }
0x39: {  	[tilespmem:s11], [sflag:$0x1] =	stream.indirect.gather [hbm4b:s1+s10], $0x80, s25, s10, $0xb8;
	[tilespmem:$0x8880] =	vst v63  }
0x3a: {  	s26 =	smov.u32 s24;
	s24 =	sadd.s32 $0x800, s24  }
0x3b: {  	[tilespmem:s12], [sflag:$0x2] =	stream.indirect.gather [hbm4b:s3+s10], $0x80, s25, s10, $0xb8;
	[tilespmem:$0x8880] =	vst v63  }
0x3c: {  	s28 =	sadd.s32 $0x40, s25  }
0x3d: {  	[tilespmem:s13], [sflag:$0x3] =	stream.indirect.gather [hbm4b:s1+s10], $0x80, s28, s10, $0xb8;
	[tilespmem:$0x8880] =	vst v63  }
0x3e: {  	_ = 	snop  }
0x3f: {  	[tilespmem:s14], [sflag:$0x4] =	stream.indirect.gather [hbm4b:s3+s10], $0x80, s28, s10, $0xb8;
	[tilespmem:$0x8880] =	vst v63  }
0x40: {  	_ =	swait.ge [sflag:s15], $0x2000  }
0x41: {  	[sflag:s15] =	ssyncset.done $0x0  }
0x42: {  	[sflag:s15] =	ssyncadd.s32 $0xFFFFE000  }
0x43: {  	_ =	swait.ge [sflag:s16], $0x2000  }
0x44: {  	[sflag:s16] =	ssyncset.done $0x0  }
0x45: {  	s28 =	sadd.s32 s26, s7;
	[sflag:s16] =	ssyncadd.s32 $0xFFFFE000  }
0x46: {  	[hbm4b:s28+s4] =	stream.linear.scatter [tilespmem:s11], [sflag:$0x5], $0x2000, $0x38;
	[tilespmem:$0x8880] =	vst v63  }
0x47: {  	s26 =	sadd.s32 s26, s8  }
0x48: {  	[hbm4b:s26+s4] =	stream.linear.scatter [tilespmem:s12], [sflag:$0x6], $0x2000, $0x38;
	[tilespmem:$0x8880] =	vst v63  }
0x49: {  	_ =	swait.ge [sflag:s17], $0x2000  }
0x4a: {  	[sflag:s17] =	ssyncset.done $0x0  }
0x4b: {  	[sflag:s17] =	ssyncadd.s32 $0xFFFFE000  }
0x4c: {  	_ =	swait.ge [sflag:s18], $0x2000  }
0x4d: {  	[sflag:s18] =	ssyncset.done $0x0  }
0x4e: {  	s28 =	sadd.s32 $0x400, s28;
	[sflag:s18] =	ssyncadd.s32 $0xFFFFE000  }
0x4f: {  	[hbm4b:s28+s4] =	stream.linear.scatter [tilespmem:s13], [sflag:$0x7], $0x2000, $0x38;
	[tilespmem:$0x8880] =	vst v63  }
0x50: {  	s26 =	sadd.s32 $0x400, s26  }
0x51: {  	[hbm4b:s26+s4] =	stream.linear.scatter [tilespmem:s14], [sflag:$0x8], $0x2000, $0x38;
	[tilespmem:$0x8880] =	vst v63  }
0x52: {  	_ =	swait.ge [sflag:s19], $0x2000  }
0x53: {  	[sflag:s19] =	ssyncset.done $0x0  }
0x54: {  	[sflag:s19] =	ssyncadd.s32 $0xFFFFE000  }
0x55: {  	_ =	swait.ge [sflag:s20], $0x2000  }
0x56: {  	[sflag:s20] =	ssyncset.done $0x0  }
0x57: {  	[sflag:s20] =	ssyncadd.s32 $0xFFFFE000  }
.Ltmp0:
0x58: {  	_ =	swait.ge [sflag:s21], $0x2000;
	(pc) =	sbr.rel @p0 .LBB2_2-.Ltmp0, $4  }
0x59: {  	[sflag:s21] =	ssyncset.done $0x0  }
0x5a: {  	[sflag:s21] =	ssyncadd.s32 $0xFFFFE000  }
0x5b: {  	_ =	swait.ge [sflag:s22], $0x2000  }
0x5c: {  	[sflag:s22] =	ssyncset.done $0x0  }
0x5d: {  	s23 =	sadd.s32 $0x1, s23  }
0x5e: {  	p0 =	sne.s32 s23, s6  }
.Ltmp1:
0x5f: {  	_ = 	snop;
	(pc) =	sbr.rel @p0 .LBB2_1-.Ltmp1, $2  }
0x60: {  	_ =	sdelay $0x2  }
0x61: {  	[sflag:s22] =	ssyncadd.s32 $0xFFFFE000  }
0x62: {  	_ =	sfence.sel $0x180000  }
0x63: {  	[bflag:$0x0] =	sbarrier.arrive $0xFFFF  }
0x64: {  	p0 =	sne.s32 s0, $0x0;
	_ =	strace $0x9000004D  }
0x65: {  	s0 =	sadd.s32 @!p0 $0x100000, s2;
	[bflag:$0x2] =	sbarrier.arrive $0xFFFF  }
0x66: {  	[sflag:s0] =	ssyncadd.tile.s32 @!p0 $0x1;
	_ =	shalt  }
.Lfunc_end2:
_tile_overlayer_lowered:
.L_overlay_start_2:
0x67: {  	(tag) =	ssettag $0x2  }
0x68: {  	s0 =	rddreg [dreg:$0x0];
	s2 =	stileid.u32  }
0x69: {  	s1 =	rddreg [dreg:$0x1];
	p0 =	sne.s32 s2, $0x0  }
0x6a: {  	s3 =	rddreg [dreg:$0x2];
	[bflag:$0x3] =	sbarrier.arrive $0xFFFF;
	s2 =	simm.s32 @!p0 $0x1C09  }
0x6b: {  	[timem:s3], [sflag:s2] =	dma.local @!p0 [hbm:s0], s1  }
0x6c: {  	s0 =	simm.s32 @!p0 $0x9  }
0x6d: {  	_ =	swait.ge @!p0 [sflag:s0], s1  }
0x6e: {  	s1 =	ssub.s32 @!p0 $0x0, s1;
	[sflag:s0] =	ssyncset.done @!p0 $0x0  }
0x6f: {  	[sflag:s0] =	ssyncadd.s32 @!p0 s1  }
0x70: {  	[bflag:$0x3] =	sbarrier.arrive $0xFFFF  }
0x71: {  	_ =	shalt  }

</sc_bundles>
